<compile_context>
chip_gen: v7x
topology: tpu7x:2x2x1
jax: 0.10.2.dev20260603
libtpu: 0.0.44.dev20260713+nightly
codegen_flags: <defaults>
</compile_context>

<pallas_src>
import functools

import jax
import jax.numpy as jnp
from jax import lax
from jax.experimental import pallas as pl
from jax.experimental.pallas import tpu as pltpu
from jax.experimental.pallas import tpu_sc as plsc

NC = 2
NS = 16
NW = NC * NS

L = 16
ET = 8
EB = 128
PAD = 4


@functools.cache
def _make_gather(batch: int, fields: int, emb_dim: int):
    assert batch % (NW * EB) == 0
    bt = batch // NW
    ntb = bt // EB
    assert emb_dim % ET == 0
    nte = emb_dim // ET
    vpr = emb_dim // L

    mesh = plsc.VectorSubcoreMesh(
        core_axis_name="c", subcore_axis_name="s",
        num_cores=NC, num_subcores=NS,
    )

    @functools.partial(
        pl.kernel,
        out_type=jax.ShapeDtypeStruct(
            (fields, nte, batch // EB, ET, EB), jnp.float32),
        mesh=mesh,
        scratch_types=[
            pltpu.VMEM((fields, bt), jnp.int32),
            [pltpu.VMEM((bt, emb_dim), jnp.float32) for _ in range(2)],
            [pltpu.VMEM((nte, ntb, ET, EB + PAD), jnp.float32)
             for _ in range(2)],
            [pltpu.SemaphoreType.DMA for _ in range(2)],
            [pltpu.SemaphoreType.DMA for _ in range(2)],
        ],
        compiler_params=pltpu.CompilerParams(
            use_tc_tiling_on_sc=False, needs_layout_passes=False),
    )
    def gather_kernel(idx_hbm, table_hbm, out_hbm, idx_all, rows, trows, sg, ss):
        wid = lax.axis_index("s") * NC + lax.axis_index("c")
        b0 = wid * bt
        tb0 = wid * ntb

        pltpu.sync_copy(idx_hbm.at[:, pl.ds(b0, bt)], idx_all)

        def gather(f, b):
            pltpu.async_copy(table_hbm.at[idx_all.at[f, :]], rows[b], sg[b])

        def store(f, b):
            pltpu.async_copy(
                trows[b].at[:, :, :, pl.ds(0, EB)],
                out_hbm.at[f, :, pl.ds(tb0, ntb), :, :], ss[b])

        def wait_gather(b):
            pltpu.make_async_copy(
                table_hbm.at[idx_all.at[0, :]], rows[b], sg[b]).wait()

        def wait_store(b):
            pltpu.make_async_copy(
                trows[b].at[:, :, :, pl.ds(0, EB)],
                out_hbm.at[0, :, pl.ds(tb0, ntb), :, :], ss[b]).wait()

        iota = lax.iota(jnp.int32, L)
        te_vecs = [(h * L + iota) // ET for h in range(vpr)]
        es_vec = iota % ET

        def transpose(b):
            rb, tb = rows[b], trows[b]

            def body(g, carry):
                for dr in range(8):
                    r = g * 8 + dr
                    tb_full = jnp.full((L,), r // EB, dtype=jnp.int32)
                    bs_full = jnp.full((L,), r % EB, dtype=jnp.int32)
                    for h in range(vpr):
                        val = rb[r, pl.ds(h * L, L)]
                        plsc.store_scatter(
                            tb, [te_vecs[h], tb_full, es_vec, bs_full], val)
                return carry

            lax.fori_loop(0, bt // 8, body, 0)

        gather(0, 0)
        gather(1, 1)

        def step(f2, carry):
            for b in range(2):
                f = f2 * 2 + b
                wait_gather(b)

                @pl.when(f >= 2)
                def _():
                    wait_store(b)

                transpose(b)
                store(f, b)

                @pl.when(f + 2 < fields)
                def _():
                    gather(f + 2, b)
            return carry

        lax.fori_loop(0, fields // 2, step, 0)

        wait_store(0)
        wait_store(1)

    return gather_kernel


def kernel(inputs, emb_matrix):
    batch, fields = inputs.shape
    vocab, emb_dim = emb_matrix.shape
    wide = jnp.reshape(emb_matrix, (vocab * emb_dim // 128, 128))
    wide = lax.optimization_barrier(wide)
    table_lin = jnp.reshape(wide, (vocab, emb_dim))
    out5 = _make_gather(batch, fields, emb_dim)(inputs.T, table_lin)
    out = jnp.transpose(out5, (2, 4, 0, 1, 3))
    return out.reshape(batch, fields, emb_dim)

# --- scband reference (transcript-rebuilt; emitter-appended) ---
"""Pipeline reference for scband-embedding-35433480192320 (READ-ONLY COPY).

The authoritative reference and input builder live on the scoring server;
editing this copy changes nothing except your own understanding.
"""

import jax, jax.numpy as jnp
import numpy as np

NUM_INPUTS = 1000000
EMB_SIZE = 32
BATCH = 16384
FIELDS = 100

def setup_inputs(seed: int = 0) -> dict:
    key = jax.random.key(seed)
    k_idx, k_emb = jax.random.split(key)
    inputs = jax.random.randint(k_idx, (BATCH, FIELDS), 0, NUM_INPUTS, dtype=jnp.int64 if jax.config.jax_enable_x64 else jnp.int32)
    emb_matrix = jax.random.normal(k_emb, (NUM_INPUTS, EMB_SIZE), dtype=jnp.float32)
    return {"inputs": inputs, "emb_matrix": emb_matrix}

def reference(inputs, emb_matrix):
    # Faithful translation of Embedding.apply:
    # if last dim == 1, squeeze; here last dim is FIELDS != 1, so plain gather.
    if inputs.shape[-1] == 1:
        inputs = jnp.squeeze(inputs, axis=-1)
    return jnp.take(emb_matrix, inputs, axis=0)

if __name__ == "__main__":
    import jax
    _d = setup_inputs()
    print(jax.jit(kernel)(*tuple(_d.values())))

</pallas_src>

<mosaic_0001>
#map = affine_map<(d0, d1) -> (0, 0)>
#map1 = affine_map<(d0, d1) -> (0, 0, 0, 0, 0)>
module attributes {stable_mosaic.version = 14 : i64} {
  func.func @gather_kernel(%arg0: i32, %arg1: i32, %arg2: memref<100x16384xi32, #tpu.memory_space<hbm>>, %arg3: memref<1000000x32xf32, #tpu.memory_space<hbm>>, %arg4: memref<100x4x128x8x128xf32, #tpu.memory_space<hbm>>, %arg5: memref<100x512xi32, #tpu.memory_space<vmem>>, %arg6: memref<512x32xf32, #tpu.memory_space<vmem>>, %arg7: memref<512x32xf32, #tpu.memory_space<vmem>>, %arg8: memref<4x4x8x132xf32, #tpu.memory_space<vmem>>, %arg9: memref<4x4x8x132xf32, #tpu.memory_space<vmem>>, %arg10: memref<!tpu.dma_semaphore, #tpu.memory_space<semaphore_mem>>, %arg11: memref<!tpu.dma_semaphore, #tpu.memory_space<semaphore_mem>>, %arg12: memref<!tpu.dma_semaphore, #tpu.memory_space<semaphore_mem>>, %arg13: memref<!tpu.dma_semaphore, #tpu.memory_space<semaphore_mem>>) attributes {dimension_semantics = [#tpu.dimension_semantics<core_parallel>, #tpu.dimension_semantics<subcore_parallel>], iteration_bounds = array<i64: 2, 16>, scalar_prefetch = 0 : i64, scratch_operands = 9 : i64, tpu.core_type = #tpu.core_type<sc_vector_subcore>, window_params = [{transform_indices = #map}, {transform_indices = #map}, {transform_indices = #map1}]} {
    %mul3A = arith.constant 2 : i32
    %mul3A_0 = arith.muli %arg1, %mul3A : i32
    %add3A = arith.addi %mul3A_0, %arg0 : i32
    %mul3A_1 = arith.constant 512 : i32
    %mul3A_2 = arith.muli %add3A, %mul3A_1 : i32
    %mul3A_3 = arith.constant 4 : i32
    %mul3A_4 = arith.muli %add3A, %mul3A_3 : i32
    "tpu.region"() ({
      %run_scoped3A = tpu.sem_alloc : memref<!tpu.dma_semaphore, #tpu.memory_space<semaphore_mem>>
      %dma_start3A_144 = arith.constant 0 : i32
      %dma_start3A_145 = tpu.memref_slice %arg2[%dma_start3A_144, %mul3A_2] : memref<100x16384xi32, #tpu.memory_space<hbm>> -> memref<100x512xi32, #tpu.memory_space<hbm>>
      %dma_start3A_146 = arith.constant 0 : i32
      %dma_start3A_147 = tpu.memref_slice %arg2[%dma_start3A_146, %mul3A_2] : memref<100x16384xi32, #tpu.memory_space<hbm>> -> memref<100x512xi32, #tpu.memory_space<hbm>>
      tpu.enqueue_dma source(%dma_start3A_147 : memref<100x512xi32, #tpu.memory_space<hbm>>) target(%arg5 : memref<100x512xi32, #tpu.memory_space<vmem>>) target_semaphore(%run_scoped3A : memref<!tpu.dma_semaphore, #tpu.memory_space<semaphore_mem>>)
      %dma_wait3A_148 = arith.constant 0 : i32
      %dma_wait3A_149 = tpu.memref_slice %arg2[%dma_wait3A_148, %mul3A_2] : memref<100x16384xi32, #tpu.memory_space<hbm>> -> memref<100x512xi32, #tpu.memory_space<hbm>>
      %dma_wait3A_150 = arith.constant 0 : i32
      %dma_wait3A_151 = tpu.memref_slice %arg2[%dma_wait3A_150, %mul3A_2] : memref<100x16384xi32, #tpu.memory_space<hbm>> -> memref<100x512xi32, #tpu.memory_space<hbm>>
      tpu.wait_dma2 semaphore(%run_scoped3A : memref<!tpu.dma_semaphore, #tpu.memory_space<semaphore_mem>>) src(%dma_wait3A_151 : memref<100x512xi32, #tpu.memory_space<hbm>>) dst(%arg5 : memref<100x512xi32, #tpu.memory_space<vmem>>)
      tpu.yield
    }) : () -> ()
    %iota3A = tpu.iota {dimensions = array<i32: 0>} : vector<16xi32>
    %add3A_5 = arith.constant 0 : i32
    %add3A_6 = vector.broadcast %add3A_5 : i32 to vector<16xi32>
    %add3A_7 = arith.addi %add3A_6, %iota3A : vector<16xi32>
    %jit3A = arith.constant 8 : i32
    %div3A = vector.broadcast %jit3A : i32 to vector<16xi32>
    %div3A_8 = arith.divsi %add3A_7, %div3A : vector<16xi32>
    %sign3A = arith.constant 0 : i32
    %sign3A_9 = vector.broadcast %sign3A : i32 to vector<16xi32>
    %sign3A_10 = arith.cmpi sgt, %add3A_7, %sign3A_9 : vector<16xi32>
    %sign3A_11 = arith.extui %sign3A_10 : vector<16xi1> to vector<16xi32>
    %sign3A_12 = arith.constant 0 : i32
    %sign3A_13 = vector.broadcast %sign3A_12 : i32 to vector<16xi32>
    %sign3A_14 = arith.cmpi slt, %add3A_7, %sign3A_13 : vector<16xi32>
    %sign3A_15 = arith.extui %sign3A_14 : vector<16xi1> to vector<16xi32>
    %sign3A_16 = arith.subi %sign3A_11, %sign3A_15 : vector<16xi32>
    %sign3A_17 = arith.constant 0 : i32
    %sign3A_18 = arith.cmpi sgt, %jit3A, %sign3A_17 : i32
    %sign3A_19 = arith.extui %sign3A_18 : i1 to i32
    %sign3A_20 = arith.constant 0 : i32
    %sign3A_21 = arith.cmpi slt, %jit3A, %sign3A_20 : i32
    %sign3A_22 = arith.extui %sign3A_21 : i1 to i32
    %sign3A_23 = arith.subi %sign3A_19, %sign3A_22 : i32
    %ne3A = vector.broadcast %sign3A_23 : i32 to vector<16xi32>
    %ne3A_24 = arith.cmpi ne, %sign3A_16, %ne3A : vector<16xi32>
    %rem3A = vector.broadcast %jit3A : i32 to vector<16xi32>
    %rem3A_25 = arith.remsi %add3A_7, %rem3A : vector<16xi32>
    %ne3A_26 = arith.constant 0 : i32
    %ne3A_27 = vector.broadcast %ne3A_26 : i32 to vector<16xi32>
    %ne3A_28 = arith.cmpi ne, %rem3A_25, %ne3A_27 : vector<16xi32>
    %and3A = arith.andi %ne3A_24, %ne3A_28 : vector<16xi1>
    %sub3A = arith.constant 1 : i32
    %sub3A_29 = vector.broadcast %sub3A : i32 to vector<16xi32>
    %sub3A_30 = arith.subi %div3A_8, %sub3A_29 : vector<16xi32>
    %select_n3A = arith.select %and3A, %sub3A_30, %div3A_8 : vector<16xi1>, vector<16xi32>
    %add3A_31 = arith.constant 16 : i32
    %add3A_32 = vector.broadcast %add3A_31 : i32 to vector<16xi32>
    %add3A_33 = arith.addi %add3A_32, %iota3A : vector<16xi32>
    %jit3A_34 = arith.constant 8 : i32
    %div3A_35 = vector.broadcast %jit3A_34 : i32 to vector<16xi32>
    %div3A_36 = arith.divsi %add3A_33, %div3A_35 : vector<16xi32>
    %sign3A_37 = arith.constant 0 : i32
    %sign3A_38 = vector.broadcast %sign3A_37 : i32 to vector<16xi32>
    %sign3A_39 = arith.cmpi sgt, %add3A_33, %sign3A_38 : vector<16xi32>
    %sign3A_40 = arith.extui %sign3A_39 : vector<16xi1> to vector<16xi32>
    %sign3A_41 = arith.constant 0 : i32
    %sign3A_42 = vector.broadcast %sign3A_41 : i32 to vector<16xi32>
    %sign3A_43 = arith.cmpi slt, %add3A_33, %sign3A_42 : vector<16xi32>
    %sign3A_44 = arith.extui %sign3A_43 : vector<16xi1> to vector<16xi32>
    %sign3A_45 = arith.subi %sign3A_40, %sign3A_44 : vector<16xi32>
    %sign3A_46 = arith.constant 0 : i32
    %sign3A_47 = arith.cmpi sgt, %jit3A_34, %sign3A_46 : i32
    %sign3A_48 = arith.extui %sign3A_47 : i1 to i32
    %sign3A_49 = arith.constant 0 : i32
    %sign3A_50 = arith.cmpi slt, %jit3A_34, %sign3A_49 : i32
    %sign3A_51 = arith.extui %sign3A_50 : i1 to i32
    %sign3A_52 = arith.subi %sign3A_48, %sign3A_51 : i32
    %ne3A_53 = vector.broadcast %sign3A_52 : i32 to vector<16xi32>
    %ne3A_54 = arith.cmpi ne, %sign3A_45, %ne3A_53 : vector<16xi32>
    %rem3A_55 = vector.broadcast %jit3A_34 : i32 to vector<16xi32>
    %rem3A_56 = arith.remsi %add3A_33, %rem3A_55 : vector<16xi32>
    %ne3A_57 = arith.constant 0 : i32
    %ne3A_58 = vector.broadcast %ne3A_57 : i32 to vector<16xi32>
    %ne3A_59 = arith.cmpi ne, %rem3A_56, %ne3A_58 : vector<16xi32>
    %and3A_60 = arith.andi %ne3A_54, %ne3A_59 : vector<16xi1>
    %sub3A_61 = arith.constant 1 : i32
    %sub3A_62 = vector.broadcast %sub3A_61 : i32 to vector<16xi32>
    %sub3A_63 = arith.subi %div3A_36, %sub3A_62 : vector<16xi32>
    %select_n3A_64 = arith.select %and3A_60, %sub3A_63, %div3A_36 : vector<16xi1>, vector<16xi32>
    %jit3A_65 = arith.constant 8 : i32
    %eq3A = arith.constant 0 : i32
    %eq3A_66 = arith.cmpi eq, %jit3A_65, %eq3A : i32
    %jit3A_67 = arith.constant 1 : i32
    %select_n3A_68 = arith.select %eq3A_66, %jit3A_67, %jit3A_65 : i32
    %rem3A_69 = vector.broadcast %select_n3A_68 : i32 to vector<16xi32>
    %rem3A_70 = arith.remsi %iota3A, %rem3A_69 : vector<16xi32>
    %ne3A_71 = arith.constant 0 : i32
    %ne3A_72 = vector.broadcast %ne3A_71 : i32 to vector<16xi32>
    %ne3A_73 = arith.cmpi ne, %rem3A_70, %ne3A_72 : vector<16xi32>
    %lt3A = arith.constant 0 : i32
    %lt3A_74 = vector.broadcast %lt3A : i32 to vector<16xi32>
    %lt3A_75 = arith.cmpi slt, %rem3A_70, %lt3A_74 : vector<16xi32>
    %lt3A_76 = arith.constant 0 : i32
    %lt3A_77 = arith.cmpi slt, %select_n3A_68, %lt3A_76 : i32
    %ne3A_78 = vector.broadcast %lt3A_77 : i1 to vector<16xi1>
    %ne3A_79 = vector.broadcast %ne3A_78 : vector<16xi1> to vector<16xi1>
    %ne3A_80 = arith.xori %lt3A_75, %ne3A_79 : vector<16xi1>
    %and3A_81 = arith.andi %ne3A_80, %ne3A_73 : vector<16xi1>
    %add3A_82 = vector.broadcast %select_n3A_68 : i32 to vector<16xi32>
    %add3A_83 = arith.addi %rem3A_70, %add3A_82 : vector<16xi32>
    %select_n3A_84 = arith.select %and3A_81, %add3A_83, %rem3A_70 : vector<16xi1>, vector<16xi32>
    %dma_start3A = arith.constant 0 : i32
    %dma_start3A_85 = arith.constant 0 : i32
    %dma_start3A_86 = tpu.memref_slice %arg5[%dma_start3A, %dma_start3A_85] : memref<100x512xi32, #tpu.memory_space<vmem>> -> memref<1x512xi32, #tpu.memory_space<vmem>>
    %dma_start3A_87 = tpu.memref_squeeze %dma_start3A_86 : memref<1x512xi32, #tpu.memory_space<vmem>> -> memref<512xi32, #tpu.memory_space<vmem>>
    %dma_start3A_88 = arith.constant 0 : i32
    %dma_start3A_89 = arith.constant 0 : i32
    %dma_start3A_90 = tpu.memref_slice %arg3[%dma_start3A_88, %dma_start3A_89] : memref<1000000x32xf32, #tpu.memory_space<hbm>> -> memref<1000000x32xf32, #tpu.memory_space<hbm>>
    tpu.enqueue_indirect_dma source(%dma_start3A_90 : memref<1000000x32xf32, #tpu.memory_space<hbm>>) target(%arg6 : memref<512x32xf32, #tpu.memory_space<vmem>>) offsets(%dma_start3A_87 : memref<512xi32, #tpu.memory_space<vmem>>) semaphore(%arg10 : memref<!tpu.dma_semaphore, #tpu.memory_space<semaphore_mem>>)
    %dma_start3A_91 = arith.constant 1 : i32
    %dma_start3A_92 = arith.constant 0 : i32
    %dma_start3A_93 = tpu.memref_slice %arg5[%dma_start3A_91, %dma_start3A_92] : memref<100x512xi32, #tpu.memory_space<vmem>> -> memref<1x512xi32, #tpu.memory_space<vmem>>
    %dma_start3A_94 = tpu.memref_squeeze %dma_start3A_93 : memref<1x512xi32, #tpu.memory_space<vmem>> -> memref<512xi32, #tpu.memory_space<vmem>>
    %dma_start3A_95 = arith.constant 0 : i32
    %dma_start3A_96 = arith.constant 0 : i32
    %dma_start3A_97 = tpu.memref_slice %arg3[%dma_start3A_95, %dma_start3A_96] : memref<1000000x32xf32, #tpu.memory_space<hbm>> -> memref<1000000x32xf32, #tpu.memory_space<hbm>>
    tpu.enqueue_indirect_dma source(%dma_start3A_97 : memref<1000000x32xf32, #tpu.memory_space<hbm>>) target(%arg7 : memref<512x32xf32, #tpu.memory_space<vmem>>) offsets(%dma_start3A_94 : memref<512xi32, #tpu.memory_space<vmem>>) semaphore(%arg11 : memref<!tpu.dma_semaphore, #tpu.memory_space<semaphore_mem>>)
    %scan3A = arith.constant 0 : i32
    %scan3A_98 = arith.constant 0 : i32
    %scan3A_99 = arith.constant 50 : i32
    %scan3A_100 = arith.addi %scan3A_98, %scan3A_99 : i32
    %scan3A_101 = arith.constant 1 : i32
    scf.for %scan3A_144 = %scan3A_98 to %scan3A_100 step %scan3A_101  : i32 {
      %mul3A_145 = arith.constant 2 : i32
      %mul3A_146 = arith.muli %scan3A_144, %mul3A_145 : i32
      %add3A_147 = arith.constant 0 : i32
      %add3A_148 = arith.addi %mul3A_146, %add3A_147 : i32
      %dma_wait3A_149 = arith.constant 0 : i32
      %dma_wait3A_150 = arith.constant 0 : i32
      %dma_wait3A_151 = tpu.memref_slice %arg5[%dma_wait3A_149, %dma_wait3A_150] : memref<100x512xi32, #tpu.memory_space<vmem>> -> memref<1x512xi32, #tpu.memory_space<vmem>>
      %dma_wait3A_152 = tpu.memref_squeeze %dma_wait3A_151 : memref<1x512xi32, #tpu.memory_space<vmem>> -> memref<512xi32, #tpu.memory_space<vmem>>
      %dma_wait3A_153 = arith.constant 0 : i32
      %dma_wait3A_154 = arith.constant 0 : i32
      %dma_wait3A_155 = tpu.memref_slice %arg3[%dma_wait3A_153, %dma_wait3A_154] : memref<1000000x32xf32, #tpu.memory_space<hbm>> -> memref<1000000x32xf32, #tpu.memory_space<hbm>>
      tpu.wait_indirect_dma semaphore(%arg10 : memref<!tpu.dma_semaphore, #tpu.memory_space<semaphore_mem>>) src(%dma_wait3A_155 : memref<1000000x32xf32, #tpu.memory_space<hbm>>) dst(%arg6 : memref<512x32xf32, #tpu.memory_space<vmem>>)
      %ge3A = arith.constant 2 : i32
      %ge3A_156 = arith.cmpi sge, %add3A_148, %ge3A : i32
      %convert_element_type3A = arith.extui %ge3A_156 : i1 to i32
      %cond3A = arith.constant 0 : i32
      %cond3A_157 = arith.cmpi ne, %convert_element_type3A, %cond3A : i32
      scf.if %cond3A_157 {
        %dma_wait3A_240 = arith.constant 0 : i32
        %dma_wait3A_241 = arith.constant 0 : i32
        %dma_wait3A_242 = arith.constant 0 : i32
        %dma_wait3A_243 = arith.constant 0 : i32
        %dma_wait3A_244 = arith.constant 0 : i32
        %dma_wait3A_245 = tpu.memref_slice %arg8[%dma_wait3A_241, %dma_wait3A_242, %dma_wait3A_243, %dma_wait3A_244] : memref<4x4x8x132xf32, #tpu.memory_space<vmem>> -> memref<4x4x8x128xf32, #tpu.memory_space<vmem>>
        %dma_wait3A_246 = arith.constant 0 : i32
        %dma_wait3A_247 = arith.constant 0 : i32
        %dma_wait3A_248 = arith.constant 0 : i32
        %dma_wait3A_249 = tpu.memref_slice %arg4[%dma_wait3A_240, %dma_wait3A_246, %mul3A_4, %dma_wait3A_247, %dma_wait3A_248] : memref<100x4x128x8x128xf32, #tpu.memory_space<hbm>> -> memref<1x4x4x8x128xf32, #tpu.memory_space<hbm>>
        %dma_wait3A_250 = tpu.memref_squeeze %dma_wait3A_249 : memref<1x4x4x8x128xf32, #tpu.memory_space<hbm>> -> memref<4x4x8x128xf32, #tpu.memory_space<hbm>>
        %dma_wait3A_251 = arith.constant 0 : i32
        %dma_wait3A_252 = arith.constant 0 : i32
        %dma_wait3A_253 = arith.constant 0 : i32
        %dma_wait3A_254 = tpu.memref_slice %arg4[%dma_wait3A_240, %dma_wait3A_251, %mul3A_4, %dma_wait3A_252, %dma_wait3A_253] : memref<100x4x128x8x128xf32, #tpu.memory_space<hbm>> -> memref<1x4x4x8x128xf32, #tpu.memory_space<hbm>>
        %dma_wait3A_255 = tpu.memref_squeeze %dma_wait3A_254 : memref<1x4x4x8x128xf32, #tpu.memory_space<hbm>> -> memref<4x4x8x128xf32, #tpu.memory_space<hbm>>
        %dma_wait3A_256 = arith.constant 0 : i32
        %dma_wait3A_257 = arith.constant 0 : i32
        %dma_wait3A_258 = arith.constant 0 : i32
        %dma_wait3A_259 = arith.constant 0 : i32
        %dma_wait3A_260 = tpu.memref_slice %arg8[%dma_wait3A_256, %dma_wait3A_257, %dma_wait3A_258, %dma_wait3A_259] : memref<4x4x8x132xf32, #tpu.memory_space<vmem>> -> memref<4x4x8x128xf32, #tpu.memory_space<vmem>>
        tpu.wait_dma2 semaphore(%arg12 : memref<!tpu.dma_semaphore, #tpu.memory_space<semaphore_mem>>) src(%dma_wait3A_260 : memref<4x4x8x128xf32, #tpu.memory_space<vmem>>) dst(%dma_wait3A_255 : memref<4x4x8x128xf32, #tpu.memory_space<hbm>>)
      } else {
      }
      %scan3A_158 = arith.constant 0 : i32
      %scan3A_159 = arith.constant 0 : i32
      %scan3A_160 = arith.constant 64 : i32
      %scan3A_161 = arith.addi %scan3A_159, %scan3A_160 : i32
      %scan3A_162 = arith.constant 1 : i32
      scf.for %scan3A_240 = %scan3A_159 to %scan3A_161 step %scan3A_162  : i32 {
        %mul3A_241 = arith.constant 8 : i32
        %mul3A_242 = arith.muli %scan3A_240, %mul3A_241 : i32
        %add3A_243 = arith.constant 0 : i32
        %add3A_244 = arith.addi %mul3A_242, %add3A_243 : i32
        %jit3A_245 = arith.constant 128 : i32
        %div3A_246 = arith.divsi %add3A_244, %jit3A_245 : i32
        %sign3A_247 = arith.constant 0 : i32
        %sign3A_248 = arith.cmpi sgt, %add3A_244, %sign3A_247 : i32
        %sign3A_249 = arith.extui %sign3A_248 : i1 to i32
        %sign3A_250 = arith.constant 0 : i32
        %sign3A_251 = arith.cmpi slt, %add3A_244, %sign3A_250 : i32
        %sign3A_252 = arith.extui %sign3A_251 : i1 to i32
        %sign3A_253 = arith.subi %sign3A_249, %sign3A_252 : i32
        %sign3A_254 = arith.constant 0 : i32
        %sign3A_255 = arith.cmpi sgt, %jit3A_245, %sign3A_254 : i32
        %sign3A_256 = arith.extui %sign3A_255 : i1 to i32
        %sign3A_257 = arith.constant 0 : i32
        %sign3A_258 = arith.cmpi slt, %jit3A_245, %sign3A_257 : i32
        %sign3A_259 = arith.extui %sign3A_258 : i1 to i32
        %sign3A_260 = arith.subi %sign3A_256, %sign3A_259 : i32
        %ne3A_261 = arith.cmpi ne, %sign3A_253, %sign3A_260 : i32
        %rem3A_262 = arith.remsi %add3A_244, %jit3A_245 : i32
        %ne3A_263 = arith.constant 0 : i32
        %ne3A_264 = arith.cmpi ne, %rem3A_262, %ne3A_263 : i32
        %and3A_265 = arith.andi %ne3A_261, %ne3A_264 : i1
        %sub3A_266 = arith.constant 1 : i32
        %sub3A_267 = arith.subi %div3A_246, %sub3A_266 : i32
        %select_n3A_268 = arith.select %and3A_265, %sub3A_267, %div3A_246 : i32
        %broadcast_in_dim3A = vector.broadcast %select_n3A_268 : i32 to vector<16xi32>
        %jit3A_269 = arith.constant 128 : i32
        %eq3A_270 = arith.constant 0 : i32
        %eq3A_271 = arith.cmpi eq, %jit3A_269, %eq3A_270 : i32
        %jit3A_272 = arith.constant 1 : i32
        %select_n3A_273 = arith.select %eq3A_271, %jit3A_272, %jit3A_269 : i32
        %rem3A_274 = arith.remsi %add3A_244, %select_n3A_273 : i32
        %ne3A_275 = arith.constant 0 : i32
        %ne3A_276 = arith.cmpi ne, %rem3A_274, %ne3A_275 : i32
        %lt3A_277 = arith.constant 0 : i32
        %lt3A_278 = arith.cmpi slt, %rem3A_274, %lt3A_277 : i32
        %lt3A_279 = arith.constant 0 : i32
        %lt3A_280 = arith.cmpi slt, %select_n3A_273, %lt3A_279 : i32
        %ne3A_281 = arith.xori %lt3A_278, %lt3A_280 : i1
        %and3A_282 = arith.andi %ne3A_281, %ne3A_276 : i1
        %add3A_283 = arith.addi %rem3A_274, %select_n3A_273 : i32
        %select_n3A_284 = arith.select %and3A_282, %add3A_283, %rem3A_274 : i32
        %broadcast_in_dim3A_285 = vector.broadcast %select_n3A_284 : i32 to vector<16xi32>
        %get3A = arith.index_cast %add3A_244 : i32 to index
        %get3A_286 = arith.constant 0 : index
        %get3A_287 = tpu.vector_load %arg6[%get3A, %get3A_286] {strides = array<i32>} : memref<512x32xf32, #tpu.memory_space<vmem>>, vector<16xf32>,
        tpu.vector_store_idx %arg8[%select_n3A, %broadcast_in_dim3A, %select_n3A_84, %broadcast_in_dim3A_285], %get3A_287 : memref<4x4x8x132xf32, #tpu.memory_space<vmem>>[vector<16xi32>, vector<16xi32>, vector<16xi32>, vector<16xi32>], vector<16xf32>,
        %get3A_288 = arith.index_cast %add3A_244 : i32 to index
        %get3A_289 = arith.constant 16 : index
        %get3A_290 = tpu.vector_load %arg6[%get3A_288, %get3A_289] {strides = array<i32>} : memref<512x32xf32, #tpu.memory_space<vmem>>, vector<16xf32>,
        tpu.vector_store_idx %arg8[%select_n3A_64, %broadcast_in_dim3A, %select_n3A_84, %broadcast_in_dim3A_285], %get3A_290 : memref<4x4x8x132xf32, #tpu.memory_space<vmem>>[vector<16xi32>, vector<16xi32>, vector<16xi32>, vector<16xi32>], vector<16xf32>,
        %mul3A_291 = arith.constant 8 : i32
        %mul3A_292 = arith.muli %scan3A_240, %mul3A_291 : i32
        %add3A_293 = arith.constant 1 : i32
        %add3A_294 = arith.addi %mul3A_292, %add3A_293 : i32
        %jit3A_295 = arith.constant 128 : i32
        %div3A_296 = arith.divsi %add3A_294, %jit3A_295 : i32
        %sign3A_297 = arith.constant 0 : i32
        %sign3A_298 = arith.cmpi sgt, %add3A_294, %sign3A_297 : i32
        %sign3A_299 = arith.extui %sign3A_298 : i1 to i32
        %sign3A_300 = arith.constant 0 : i32
        %sign3A_301 = arith.cmpi slt, %add3A_294, %sign3A_300 : i32
        %sign3A_302 = arith.extui %sign3A_301 : i1 to i32
        %sign3A_303 = arith.subi %sign3A_299, %sign3A_302 : i32
        %sign3A_304 = arith.constant 0 : i32
        %sign3A_305 = arith.cmpi sgt, %jit3A_295, %sign3A_304 : i32
        %sign3A_306 = arith.extui %sign3A_305 : i1 to i32
        %sign3A_307 = arith.constant 0 : i32
        %sign3A_308 = arith.cmpi slt, %jit3A_295, %sign3A_307 : i32
        %sign3A_309 = arith.extui %sign3A_308 : i1 to i32
        %sign3A_310 = arith.subi %sign3A_306, %sign3A_309 : i32
        %ne3A_311 = arith.cmpi ne, %sign3A_303, %sign3A_310 : i32
        %rem3A_312 = arith.remsi %add3A_294, %jit3A_295 : i32
        %ne3A_313 = arith.constant 0 : i32
        %ne3A_314 = arith.cmpi ne, %rem3A_312, %ne3A_313 : i32
        %and3A_315 = arith.andi %ne3A_311, %ne3A_314 : i1
        %sub3A_316 = arith.constant 1 : i32
        %sub3A_317 = arith.subi %div3A_296, %sub3A_316 : i32
        %select_n3A_318 = arith.select %and3A_315, %sub3A_317, %div3A_296 : i32
        %broadcast_in_dim3A_319 = vector.broadcast %select_n3A_318 : i32 to vector<16xi32>
        %jit3A_320 = arith.constant 128 : i32
        %eq3A_321 = arith.constant 0 : i32
        %eq3A_322 = arith.cmpi eq, %jit3A_320, %eq3A_321 : i32
        %jit3A_323 = arith.constant 1 : i32
        %select_n3A_324 = arith.select %eq3A_322, %jit3A_323, %jit3A_320 : i32
        %rem3A_325 = arith.remsi %add3A_294, %select_n3A_324 : i32
        %ne3A_326 = arith.constant 0 : i32
        %ne3A_327 = arith.cmpi ne, %rem3A_325, %ne3A_326 : i32
        %lt3A_328 = arith.constant 0 : i32
        %lt3A_329 = arith.cmpi slt, %rem3A_325, %lt3A_328 : i32
        %lt3A_330 = arith.constant 0 : i32
        %lt3A_331 = arith.cmpi slt, %select_n3A_324, %lt3A_330 : i32
        %ne3A_332 = arith.xori %lt3A_329, %lt3A_331 : i1
        %and3A_333 = arith.andi %ne3A_332, %ne3A_327 : i1
        %add3A_334 = arith.addi %rem3A_325, %select_n3A_324 : i32
        %select_n3A_335 = arith.select %and3A_333, %add3A_334, %rem3A_325 : i32
        %broadcast_in_dim3A_336 = vector.broadcast %select_n3A_335 : i32 to vector<16xi32>
        %get3A_337 = arith.index_cast %add3A_294 : i32 to index
        %get3A_338 = arith.constant 0 : index
        %get3A_339 = tpu.vector_load %arg6[%get3A_337, %get3A_338] {strides = array<i32>} : memref<512x32xf32, #tpu.memory_space<vmem>>, vector<16xf32>,
        tpu.vector_store_idx %arg8[%select_n3A, %broadcast_in_dim3A_319, %select_n3A_84, %broadcast_in_dim3A_336], %get3A_339 : memref<4x4x8x132xf32, #tpu.memory_space<vmem>>[vector<16xi32>, vector<16xi32>, vector<16xi32>, vector<16xi32>], vector<16xf32>,
        %get3A_340 = arith.index_cast %add3A_294 : i32 to index
        %get3A_341 = arith.constant 16 : index
        %get3A_342 = tpu.vector_load %arg6[%get3A_340, %get3A_341] {strides = array<i32>} : memref<512x32xf32, #tpu.memory_space<vmem>>, vector<16xf32>,
        tpu.vector_store_idx %arg8[%select_n3A_64, %broadcast_in_dim3A_319, %select_n3A_84, %broadcast_in_dim3A_336], %get3A_342 : memref<4x4x8x132xf32, #tpu.memory_space<vmem>>[vector<16xi32>, vector<16xi32>, vector<16xi32>, vector<16xi32>], vector<16xf32>,
        %mul3A_343 = arith.constant 8 : i32
        %mul3A_344 = arith.muli %scan3A_240, %mul3A_343 : i32
        %add3A_345 = arith.constant 2 : i32
        %add3A_346 = arith.addi %mul3A_344, %add3A_345 : i32
        %jit3A_347 = arith.constant 128 : i32
        %div3A_348 = arith.divsi %add3A_346, %jit3A_347 : i32
        %sign3A_349 = arith.constant 0 : i32
        %sign3A_350 = arith.cmpi sgt, %add3A_346, %sign3A_349 : i32
        %sign3A_351 = arith.extui %sign3A_350 : i1 to i32
        %sign3A_352 = arith.constant 0 : i32
        %sign3A_353 = arith.cmpi slt, %add3A_346, %sign3A_352 : i32
        %sign3A_354 = arith.extui %sign3A_353 : i1 to i32
        %sign3A_355 = arith.subi %sign3A_351, %sign3A_354 : i32
        %sign3A_356 = arith.constant 0 : i32
        %sign3A_357 = arith.cmpi sgt, %jit3A_347, %sign3A_356 : i32
        %sign3A_358 = arith.extui %sign3A_357 : i1 to i32
        %sign3A_359 = arith.constant 0 : i32
        %sign3A_360 = arith.cmpi slt, %jit3A_347, %sign3A_359 : i32
        %sign3A_361 = arith.extui %sign3A_360 : i1 to i32
        %sign3A_362 = arith.subi %sign3A_358, %sign3A_361 : i32
        %ne3A_363 = arith.cmpi ne, %sign3A_355, %sign3A_362 : i32
        %rem3A_364 = arith.remsi %add3A_346, %jit3A_347 : i32
        %ne3A_365 = arith.constant 0 : i32
        %ne3A_366 = arith.cmpi ne, %rem3A_364, %ne3A_365 : i32
        %and3A_367 = arith.andi %ne3A_363, %ne3A_366 : i1
        %sub3A_368 = arith.constant 1 : i32
        %sub3A_369 = arith.subi %div3A_348, %sub3A_368 : i32
        %select_n3A_370 = arith.select %and3A_367, %sub3A_369, %div3A_348 : i32
        %broadcast_in_dim3A_371 = vector.broadcast %select_n3A_370 : i32 to vector<16xi32>
        %jit3A_372 = arith.constant 128 : i32
        %eq3A_373 = arith.constant 0 : i32
        %eq3A_374 = arith.cmpi eq, %jit3A_372, %eq3A_373 : i32
        %jit3A_375 = arith.constant 1 : i32
        %select_n3A_376 = arith.select %eq3A_374, %jit3A_375, %jit3A_372 : i32
        %rem3A_377 = arith.remsi %add3A_346, %select_n3A_376 : i32
        %ne3A_378 = arith.constant 0 : i32
        %ne3A_379 = arith.cmpi ne, %rem3A_377, %ne3A_378 : i32
        %lt3A_380 = arith.constant 0 : i32
        %lt3A_381 = arith.cmpi slt, %rem3A_377, %lt3A_380 : i32
        %lt3A_382 = arith.constant 0 : i32
        %lt3A_383 = arith.cmpi slt, %select_n3A_376, %lt3A_382 : i32
        %ne3A_384 = arith.xori %lt3A_381, %lt3A_383 : i1
        %and3A_385 = arith.andi %ne3A_384, %ne3A_379 : i1
        %add3A_386 = arith.addi %rem3A_377, %select_n3A_376 : i32
        %select_n3A_387 = arith.select %and3A_385, %add3A_386, %rem3A_377 : i32
        %broadcast_in_dim3A_388 = vector.broadcast %select_n3A_387 : i32 to vector<16xi32>
        %get3A_389 = arith.index_cast %add3A_346 : i32 to index
        %get3A_390 = arith.constant 0 : index
        %get3A_391 = tpu.vector_load %arg6[%get3A_389, %get3A_390] {strides = array<i32>} : memref<512x32xf32, #tpu.memory_space<vmem>>, vector<16xf32>,
        tpu.vector_store_idx %arg8[%select_n3A, %broadcast_in_dim3A_371, %select_n3A_84, %broadcast_in_dim3A_388], %get3A_391 : memref<4x4x8x132xf32, #tpu.memory_space<vmem>>[vector<16xi32>, vector<16xi32>, vector<16xi32>, vector<16xi32>], vector<16xf32>,
        %get3A_392 = arith.index_cast %add3A_346 : i32 to index
        %get3A_393 = arith.constant 16 : index
        %get3A_394 = tpu.vector_load %arg6[%get3A_392, %get3A_393] {strides = array<i32>} : memref<512x32xf32, #tpu.memory_space<vmem>>, vector<16xf32>,
        tpu.vector_store_idx %arg8[%select_n3A_64, %broadcast_in_dim3A_371, %select_n3A_84, %broadcast_in_dim3A_388], %get3A_394 : memref<4x4x8x132xf32, #tpu.memory_space<vmem>>[vector<16xi32>, vector<16xi32>, vector<16xi32>, vector<16xi32>], vector<16xf32>,
        %mul3A_395 = arith.constant 8 : i32
        %mul3A_396 = arith.muli %scan3A_240, %mul3A_395 : i32
        %add3A_397 = arith.constant 3 : i32
        %add3A_398 = arith.addi %mul3A_396, %add3A_397 : i32
        %jit3A_399 = arith.constant 128 : i32
        %div3A_400 = arith.divsi %add3A_398, %jit3A_399 : i32
        %sign3A_401 = arith.constant 0 : i32
        %sign3A_402 = arith.cmpi sgt, %add3A_398, %sign3A_401 : i32
        %sign3A_403 = arith.extui %sign3A_402 : i1 to i32
        %sign3A_404 = arith.constant 0 : i32
        %sign3A_405 = arith.cmpi slt, %add3A_398, %sign3A_404 : i32
        %sign3A_406 = arith.extui %sign3A_405 : i1 to i32
        %sign3A_407 = arith.subi %sign3A_403, %sign3A_406 : i32
        %sign3A_408 = arith.constant 0 : i32
        %sign3A_409 = arith.cmpi sgt, %jit3A_399, %sign3A_408 : i32
        %sign3A_410 = arith.extui %sign3A_409 : i1 to i32
        %sign3A_411 = arith.constant 0 : i32
        %sign3A_412 = arith.cmpi slt, %jit3A_399, %sign3A_411 : i32
        %sign3A_413 = arith.extui %sign3A_412 : i1 to i32
        %sign3A_414 = arith.subi %sign3A_410, %sign3A_413 : i32
        %ne3A_415 = arith.cmpi ne, %sign3A_407, %sign3A_414 : i32
        %rem3A_416 = arith.remsi %add3A_398, %jit3A_399 : i32
        %ne3A_417 = arith.constant 0 : i32
        %ne3A_418 = arith.cmpi ne, %rem3A_416, %ne3A_417 : i32
        %and3A_419 = arith.andi %ne3A_415, %ne3A_418 : i1
        %sub3A_420 = arith.constant 1 : i32
        %sub3A_421 = arith.subi %div3A_400, %sub3A_420 : i32
        %select_n3A_422 = arith.select %and3A_419, %sub3A_421, %div3A_400 : i32
        %broadcast_in_dim3A_423 = vector.broadcast %select_n3A_422 : i32 to vector<16xi32>
        %jit3A_424 = arith.constant 128 : i32
        %eq3A_425 = arith.constant 0 : i32
        %eq3A_426 = arith.cmpi eq, %jit3A_424, %eq3A_425 : i32
        %jit3A_427 = arith.constant 1 : i32
        %select_n3A_428 = arith.select %eq3A_426, %jit3A_427, %jit3A_424 : i32
        %rem3A_429 = arith.remsi %add3A_398, %select_n3A_428 : i32
        %ne3A_430 = arith.constant 0 : i32
        %ne3A_431 = arith.cmpi ne, %rem3A_429, %ne3A_430 : i32
        %lt3A_432 = arith.constant 0 : i32
        %lt3A_433 = arith.cmpi slt, %rem3A_429, %lt3A_432 : i32
        %lt3A_434 = arith.constant 0 : i32
        %lt3A_435 = arith.cmpi slt, %select_n3A_428, %lt3A_434 : i32
        %ne3A_436 = arith.xori %lt3A_433, %lt3A_435 : i1
        %and3A_437 = arith.andi %ne3A_436, %ne3A_431 : i1
        %add3A_438 = arith.addi %rem3A_429, %select_n3A_428 : i32
        %select_n3A_439 = arith.select %and3A_437, %add3A_438, %rem3A_429 : i32
        %broadcast_in_dim3A_440 = vector.broadcast %select_n3A_439 : i32 to vector<16xi32>
        %get3A_441 = arith.index_cast %add3A_398 : i32 to index
        %get3A_442 = arith.constant 0 : index
        %get3A_443 = tpu.vector_load %arg6[%get3A_441, %get3A_442] {strides = array<i32>} : memref<512x32xf32, #tpu.memory_space<vmem>>, vector<16xf32>,
        tpu.vector_store_idx %arg8[%select_n3A, %broadcast_in_dim3A_423, %select_n3A_84, %broadcast_in_dim3A_440], %get3A_443 : memref<4x4x8x132xf32, #tpu.memory_space<vmem>>[vector<16xi32>, vector<16xi32>, vector<16xi32>, vector<16xi32>], vector<16xf32>,
        %get3A_444 = arith.index_cast %add3A_398 : i32 to index
        %get3A_445 = arith.constant 16 : index
        %get3A_446 = tpu.vector_load %arg6[%get3A_444, %get3A_445] {strides = array<i32>} : memref<512x32xf32, #tpu.memory_space<vmem>>, vector<16xf32>,
        tpu.vector_store_idx %arg8[%select_n3A_64, %broadcast_in_dim3A_423, %select_n3A_84, %broadcast_in_dim3A_440], %get3A_446 : memref<4x4x8x132xf32, #tpu.memory_space<vmem>>[vector<16xi32>, vector<16xi32>, vector<16xi32>, vector<16xi32>], vector<16xf32>,
        %mul3A_447 = arith.constant 8 : i32
        %mul3A_448 = arith.muli %scan3A_240, %mul3A_447 : i32
        %add3A_449 = arith.constant 4 : i32
        %add3A_450 = arith.addi %mul3A_448, %add3A_449 : i32
        %jit3A_451 = arith.constant 128 : i32
        %div3A_452 = arith.divsi %add3A_450, %jit3A_451 : i32
        %sign3A_453 = arith.constant 0 : i32
        %sign3A_454 = arith.cmpi sgt, %add3A_450, %sign3A_453 : i32
        %sign3A_455 = arith.extui %sign3A_454 : i1 to i32
        %sign3A_456 = arith.constant 0 : i32
        %sign3A_457 = arith.cmpi slt, %add3A_450, %sign3A_456 : i32
        %sign3A_458 = arith.extui %sign3A_457 : i1 to i32
        %sign3A_459 = arith.subi %sign3A_455, %sign3A_458 : i32
        %sign3A_460 = arith.constant 0 : i32
        %sign3A_461 = arith.cmpi sgt, %jit3A_451, %sign3A_460 : i32
        %sign3A_462 = arith.extui %sign3A_461 : i1 to i32
        %sign3A_463 = arith.constant 0 : i32
        %sign3A_464 = arith.cmpi slt, %jit3A_451, %sign3A_463 : i32
        %sign3A_465 = arith.extui %sign3A_464 : i1 to i32
        %sign3A_466 = arith.subi %sign3A_462, %sign3A_465 : i32
        %ne3A_467 = arith.cmpi ne, %sign3A_459, %sign3A_466 : i32
        %rem3A_468 = arith.remsi %add3A_450, %jit3A_451 : i32
        %ne3A_469 = arith.constant 0 : i32
        %ne3A_470 = arith.cmpi ne, %rem3A_468, %ne3A_469 : i32
        %and3A_471 = arith.andi %ne3A_467, %ne3A_470 : i1
        %sub3A_472 = arith.constant 1 : i32
        %sub3A_473 = arith.subi %div3A_452, %sub3A_472 : i32
        %select_n3A_474 = arith.select %and3A_471, %sub3A_473, %div3A_452 : i32
        %broadcast_in_dim3A_475 = vector.broadcast %select_n3A_474 : i32 to vector<16xi32>
        %jit3A_476 = arith.constant 128 : i32
        %eq3A_477 = arith.constant 0 : i32
        %eq3A_478 = arith.cmpi eq, %jit3A_476, %eq3A_477 : i32
        %jit3A_479 = arith.constant 1 : i32
        %select_n3A_480 = arith.select %eq3A_478, %jit3A_479, %jit3A_476 : i32
        %rem3A_481 = arith.remsi %add3A_450, %select_n3A_480 : i32
        %ne3A_482 = arith.constant 0 : i32
        %ne3A_483 = arith.cmpi ne, %rem3A_481, %ne3A_482 : i32
        %lt3A_484 = arith.constant 0 : i32
        %lt3A_485 = arith.cmpi slt, %rem3A_481, %lt3A_484 : i32
        %lt3A_486 = arith.constant 0 : i32
        %lt3A_487 = arith.cmpi slt, %select_n3A_480, %lt3A_486 : i32
        %ne3A_488 = arith.xori %lt3A_485, %lt3A_487 : i1
        %and3A_489 = arith.andi %ne3A_488, %ne3A_483 : i1
        %add3A_490 = arith.addi %rem3A_481, %select_n3A_480 : i32
        %select_n3A_491 = arith.select %and3A_489, %add3A_490, %rem3A_481 : i32
        %broadcast_in_dim3A_492 = vector.broadcast %select_n3A_491 : i32 to vector<16xi32>
        %get3A_493 = arith.index_cast %add3A_450 : i32 to index
        %get3A_494 = arith.constant 0 : index
        %get3A_495 = tpu.vector_load %arg6[%get3A_493, %get3A_494] {strides = array<i32>} : memref<512x32xf32, #tpu.memory_space<vmem>>, vector<16xf32>,
        tpu.vector_store_idx %arg8[%select_n3A, %broadcast_in_dim3A_475, %select_n3A_84, %broadcast_in_dim3A_492], %get3A_495 : memref<4x4x8x132xf32, #tpu.memory_space<vmem>>[vector<16xi32>, vector<16xi32>, vector<16xi32>, vector<16xi32>], vector<16xf32>,
        %get3A_496 = arith.index_cast %add3A_450 : i32 to index
        %get3A_497 = arith.constant 16 : index
        %get3A_498 = tpu.vector_load %arg6[%get3A_496, %get3A_497] {strides = array<i32>} : memref<512x32xf32, #tpu.memory_space<vmem>>, vector<16xf32>,
        tpu.vector_store_idx %arg8[%select_n3A_64, %broadcast_in_dim3A_475, %select_n3A_84, %broadcast_in_dim3A_492], %get3A_498 : memref<4x4x8x132xf32, #tpu.memory_space<vmem>>[vector<16xi32>, vector<16xi32>, vector<16xi32>, vector<16xi32>], vector<16xf32>,
        %mul3A_499 = arith.constant 8 : i32
        %mul3A_500 = arith.muli %scan3A_240, %mul3A_499 : i32
        %add3A_501 = arith.constant 5 : i32
        %add3A_502 = arith.addi %mul3A_500, %add3A_501 : i32
        %jit3A_503 = arith.constant 128 : i32
        %div3A_504 = arith.divsi %add3A_502, %jit3A_503 : i32
        %sign3A_505 = arith.constant 0 : i32
        %sign3A_506 = arith.cmpi sgt, %add3A_502, %sign3A_505 : i32
        %sign3A_507 = arith.extui %sign3A_506 : i1 to i32
        %sign3A_508 = arith.constant 0 : i32
        %sign3A_509 = arith.cmpi slt, %add3A_502, %sign3A_508 : i32
        %sign3A_510 = arith.extui %sign3A_509 : i1 to i32
        %sign3A_511 = arith.subi %sign3A_507, %sign3A_510 : i32
        %sign3A_512 = arith.constant 0 : i32
        %sign3A_513 = arith.cmpi sgt, %jit3A_503, %sign3A_512 : i32
        %sign3A_514 = arith.extui %sign3A_513 : i1 to i32
        %sign3A_515 = arith.constant 0 : i32
        %sign3A_516 = arith.cmpi slt, %jit3A_503, %sign3A_515 : i32
        %sign3A_517 = arith.extui %sign3A_516 : i1 to i32
        %sign3A_518 = arith.subi %sign3A_514, %sign3A_517 : i32
        %ne3A_519 = arith.cmpi ne, %sign3A_511, %sign3A_518 : i32
        %rem3A_520 = arith.remsi %add3A_502, %jit3A_503 : i32
        %ne3A_521 = arith.constant 0 : i32
        %ne3A_522 = arith.cmpi ne, %rem3A_520, %ne3A_521 : i32
        %and3A_523 = arith.andi %ne3A_519, %ne3A_522 : i1
        %sub3A_524 = arith.constant 1 : i32
        %sub3A_525 = arith.subi %div3A_504, %sub3A_524 : i32
        %select_n3A_526 = arith.select %and3A_523, %sub3A_525, %div3A_504 : i32
        %broadcast_in_dim3A_527 = vector.broadcast %select_n3A_526 : i32 to vector<16xi32>
        %jit3A_528 = arith.constant 128 : i32
        %eq3A_529 = arith.constant 0 : i32
        %eq3A_530 = arith.cmpi eq, %jit3A_528, %eq3A_529 : i32
        %jit3A_531 = arith.constant 1 : i32
        %select_n3A_532 = arith.select %eq3A_530, %jit3A_531, %jit3A_528 : i32
        %rem3A_533 = arith.remsi %add3A_502, %select_n3A_532 : i32
        %ne3A_534 = arith.constant 0 : i32
        %ne3A_535 = arith.cmpi ne, %rem3A_533, %ne3A_534 : i32
        %lt3A_536 = arith.constant 0 : i32
        %lt3A_537 = arith.cmpi slt, %rem3A_533, %lt3A_536 : i32
        %lt3A_538 = arith.constant 0 : i32
        %lt3A_539 = arith.cmpi slt, %select_n3A_532, %lt3A_538 : i32
        %ne3A_540 = arith.xori %lt3A_537, %lt3A_539 : i1
        %and3A_541 = arith.andi %ne3A_540, %ne3A_535 : i1
        %add3A_542 = arith.addi %rem3A_533, %select_n3A_532 : i32
        %select_n3A_543 = arith.select %and3A_541, %add3A_542, %rem3A_533 : i32
        %broadcast_in_dim3A_544 = vector.broadcast %select_n3A_543 : i32 to vector<16xi32>
        %get3A_545 = arith.index_cast %add3A_502 : i32 to index
        %get3A_546 = arith.constant 0 : index
        %get3A_547 = tpu.vector_load %arg6[%get3A_545, %get3A_546] {strides = array<i32>} : memref<512x32xf32, #tpu.memory_space<vmem>>, vector<16xf32>,
        tpu.vector_store_idx %arg8[%select_n3A, %broadcast_in_dim3A_527, %select_n3A_84, %broadcast_in_dim3A_544], %get3A_547 : memref<4x4x8x132xf32, #tpu.memory_space<vmem>>[vector<16xi32>, vector<16xi32>, vector<16xi32>, vector<16xi32>], vector<16xf32>,
        %get3A_548 = arith.index_cast %add3A_502 : i32 to index
        %get3A_549 = arith.constant 16 : index
        %get3A_550 = tpu.vector_load %arg6[%get3A_548, %get3A_549] {strides = array<i32>} : memref<512x32xf32, #tpu.memory_space<vmem>>, vector<16xf32>,
        tpu.vector_store_idx %arg8[%select_n3A_64, %broadcast_in_dim3A_527, %select_n3A_84, %broadcast_in_dim3A_544], %get3A_550 : memref<4x4x8x132xf32, #tpu.memory_space<vmem>>[vector<16xi32>, vector<16xi32>, vector<16xi32>, vector<16xi32>], vector<16xf32>,
        %mul3A_551 = arith.constant 8 : i32
        %mul3A_552 = arith.muli %scan3A_240, %mul3A_551 : i32
        %add3A_553 = arith.constant 6 : i32
        %add3A_554 = arith.addi %mul3A_552, %add3A_553 : i32
        %jit3A_555 = arith.constant 128 : i32
        %div3A_556 = arith.divsi %add3A_554, %jit3A_555 : i32
        %sign3A_557 = arith.constant 0 : i32
        %sign3A_558 = arith.cmpi sgt, %add3A_554, %sign3A_557 : i32
        %sign3A_559 = arith.extui %sign3A_558 : i1 to i32
        %sign3A_560 = arith.constant 0 : i32
        %sign3A_561 = arith.cmpi slt, %add3A_554, %sign3A_560 : i32
        %sign3A_562 = arith.extui %sign3A_561 : i1 to i32
        %sign3A_563 = arith.subi %sign3A_559, %sign3A_562 : i32
        %sign3A_564 = arith.constant 0 : i32
        %sign3A_565 = arith.cmpi sgt, %jit3A_555, %sign3A_564 : i32
        %sign3A_566 = arith.extui %sign3A_565 : i1 to i32
        %sign3A_567 = arith.constant 0 : i32
        %sign3A_568 = arith.cmpi slt, %jit3A_555, %sign3A_567 : i32
        %sign3A_569 = arith.extui %sign3A_568 : i1 to i32
        %sign3A_570 = arith.subi %sign3A_566, %sign3A_569 : i32
        %ne3A_571 = arith.cmpi ne, %sign3A_563, %sign3A_570 : i32
        %rem3A_572 = arith.remsi %add3A_554, %jit3A_555 : i32
        %ne3A_573 = arith.constant 0 : i32
        %ne3A_574 = arith.cmpi ne, %rem3A_572, %ne3A_573 : i32
        %and3A_575 = arith.andi %ne3A_571, %ne3A_574 : i1
        %sub3A_576 = arith.constant 1 : i32
        %sub3A_577 = arith.subi %div3A_556, %sub3A_576 : i32
        %select_n3A_578 = arith.select %and3A_575, %sub3A_577, %div3A_556 : i32
        %broadcast_in_dim3A_579 = vector.broadcast %select_n3A_578 : i32 to vector<16xi32>
        %jit3A_580 = arith.constant 128 : i32
        %eq3A_581 = arith.constant 0 : i32
        %eq3A_582 = arith.cmpi eq, %jit3A_580, %eq3A_581 : i32
        %jit3A_583 = arith.constant 1 : i32
        %select_n3A_584 = arith.select %eq3A_582, %jit3A_583, %jit3A_580 : i32
        %rem3A_585 = arith.remsi %add3A_554, %select_n3A_584 : i32
        %ne3A_586 = arith.constant 0 : i32
        %ne3A_587 = arith.cmpi ne, %rem3A_585, %ne3A_586 : i32
        %lt3A_588 = arith.constant 0 : i32
        %lt3A_589 = arith.cmpi slt, %rem3A_585, %lt3A_588 : i32
        %lt3A_590 = arith.constant 0 : i32
        %lt3A_591 = arith.cmpi slt, %select_n3A_584, %lt3A_590 : i32
        %ne3A_592 = arith.xori %lt3A_589, %lt3A_591 : i1
        %and3A_593 = arith.andi %ne3A_592, %ne3A_587 : i1
        %add3A_594 = arith.addi %rem3A_585, %select_n3A_584 : i32
        %select_n3A_595 = arith.select %and3A_593, %add3A_594, %rem3A_585 : i32
        %broadcast_in_dim3A_596 = vector.broadcast %select_n3A_595 : i32 to vector<16xi32>
        %get3A_597 = arith.index_cast %add3A_554 : i32 to index
        %get3A_598 = arith.constant 0 : index
        %get3A_599 = tpu.vector_load %arg6[%get3A_597, %get3A_598] {strides = array<i32>} : memref<512x32xf32, #tpu.memory_space<vmem>>, vector<16xf32>,
        tpu.vector_store_idx %arg8[%select_n3A, %broadcast_in_dim3A_579, %select_n3A_84, %broadcast_in_dim3A_596], %get3A_599 : memref<4x4x8x132xf32, #tpu.memory_space<vmem>>[vector<16xi32>, vector<16xi32>, vector<16xi32>, vector<16xi32>], vector<16xf32>,
        %get3A_600 = arith.index_cast %add3A_554 : i32 to index
        %get3A_601 = arith.constant 16 : index
        %get3A_602 = tpu.vector_load %arg6[%get3A_600, %get3A_601] {strides = array<i32>} : memref<512x32xf32, #tpu.memory_space<vmem>>, vector<16xf32>,
        tpu.vector_store_idx %arg8[%select_n3A_64, %broadcast_in_dim3A_579, %select_n3A_84, %broadcast_in_dim3A_596], %get3A_602 : memref<4x4x8x132xf32, #tpu.memory_space<vmem>>[vector<16xi32>, vector<16xi32>, vector<16xi32>, vector<16xi32>], vector<16xf32>,
        %mul3A_603 = arith.constant 8 : i32
        %mul3A_604 = arith.muli %scan3A_240, %mul3A_603 : i32
        %add3A_605 = arith.constant 7 : i32
        %add3A_606 = arith.addi %mul3A_604, %add3A_605 : i32
        %jit3A_607 = arith.constant 128 : i32
        %div3A_608 = arith.divsi %add3A_606, %jit3A_607 : i32
        %sign3A_609 = arith.constant 0 : i32
        %sign3A_610 = arith.cmpi sgt, %add3A_606, %sign3A_609 : i32
        %sign3A_611 = arith.extui %sign3A_610 : i1 to i32
        %sign3A_612 = arith.constant 0 : i32
        %sign3A_613 = arith.cmpi slt, %add3A_606, %sign3A_612 : i32
        %sign3A_614 = arith.extui %sign3A_613 : i1 to i32
        %sign3A_615 = arith.subi %sign3A_611, %sign3A_614 : i32
        %sign3A_616 = arith.constant 0 : i32
        %sign3A_617 = arith.cmpi sgt, %jit3A_607, %sign3A_616 : i32
        %sign3A_618 = arith.extui %sign3A_617 : i1 to i32
        %sign3A_619 = arith.constant 0 : i32
        %sign3A_620 = arith.cmpi slt, %jit3A_607, %sign3A_619 : i32
        %sign3A_621 = arith.extui %sign3A_620 : i1 to i32
        %sign3A_622 = arith.subi %sign3A_618, %sign3A_621 : i32
        %ne3A_623 = arith.cmpi ne, %sign3A_615, %sign3A_622 : i32
        %rem3A_624 = arith.remsi %add3A_606, %jit3A_607 : i32
        %ne3A_625 = arith.constant 0 : i32
        %ne3A_626 = arith.cmpi ne, %rem3A_624, %ne3A_625 : i32
        %and3A_627 = arith.andi %ne3A_623, %ne3A_626 : i1
        %sub3A_628 = arith.constant 1 : i32
        %sub3A_629 = arith.subi %div3A_608, %sub3A_628 : i32
        %select_n3A_630 = arith.select %and3A_627, %sub3A_629, %div3A_608 : i32
        %broadcast_in_dim3A_631 = vector.broadcast %select_n3A_630 : i32 to vector<16xi32>
        %jit3A_632 = arith.constant 128 : i32
        %eq3A_633 = arith.constant 0 : i32
        %eq3A_634 = arith.cmpi eq, %jit3A_632, %eq3A_633 : i32
        %jit3A_635 = arith.constant 1 : i32
        %select_n3A_636 = arith.select %eq3A_634, %jit3A_635, %jit3A_632 : i32
        %rem3A_637 = arith.remsi %add3A_606, %select_n3A_636 : i32
        %ne3A_638 = arith.constant 0 : i32
        %ne3A_639 = arith.cmpi ne, %rem3A_637, %ne3A_638 : i32
        %lt3A_640 = arith.constant 0 : i32
        %lt3A_641 = arith.cmpi slt, %rem3A_637, %lt3A_640 : i32
        %lt3A_642 = arith.constant 0 : i32
        %lt3A_643 = arith.cmpi slt, %select_n3A_636, %lt3A_642 : i32
        %ne3A_644 = arith.xori %lt3A_641, %lt3A_643 : i1
        %and3A_645 = arith.andi %ne3A_644, %ne3A_639 : i1
        %add3A_646 = arith.addi %rem3A_637, %select_n3A_636 : i32
        %select_n3A_647 = arith.select %and3A_645, %add3A_646, %rem3A_637 : i32
        %broadcast_in_dim3A_648 = vector.broadcast %select_n3A_647 : i32 to vector<16xi32>
        %get3A_649 = arith.index_cast %add3A_606 : i32 to index
        %get3A_650 = arith.constant 0 : index
        %get3A_651 = tpu.vector_load %arg6[%get3A_649, %get3A_650] {strides = array<i32>} : memref<512x32xf32, #tpu.memory_space<vmem>>, vector<16xf32>,
        tpu.vector_store_idx %arg8[%select_n3A, %broadcast_in_dim3A_631, %select_n3A_84, %broadcast_in_dim3A_648], %get3A_651 : memref<4x4x8x132xf32, #tpu.memory_space<vmem>>[vector<16xi32>, vector<16xi32>, vector<16xi32>, vector<16xi32>], vector<16xf32>,
        %get3A_652 = arith.index_cast %add3A_606 : i32 to index
        %get3A_653 = arith.constant 16 : index
        %get3A_654 = tpu.vector_load %arg6[%get3A_652, %get3A_653] {strides = array<i32>} : memref<512x32xf32, #tpu.memory_space<vmem>>, vector<16xf32>,
        tpu.vector_store_idx %arg8[%select_n3A_64, %broadcast_in_dim3A_631, %select_n3A_84, %broadcast_in_dim3A_648], %get3A_654 : memref<4x4x8x132xf32, #tpu.memory_space<vmem>>[vector<16xi32>, vector<16xi32>, vector<16xi32>, vector<16xi32>], vector<16xf32>,
      }
      %scan3A_163 = arith.constant 64 : i32
      %dma_start3A_164 = arith.constant 0 : i32
      %dma_start3A_165 = arith.constant 0 : i32
      %dma_start3A_166 = arith.constant 0 : i32
      %dma_start3A_167 = arith.constant 0 : i32
      %dma_start3A_168 = tpu.memref_slice %arg8[%dma_start3A_164, %dma_start3A_165, %dma_start3A_166, %dma_start3A_167] : memref<4x4x8x132xf32, #tpu.memory_space<vmem>> -> memref<4x4x8x128xf32, #tpu.memory_space<vmem>>
      %dma_start3A_169 = arith.constant 0 : i32
      %dma_start3A_170 = arith.constant 0 : i32
      %dma_start3A_171 = arith.constant 0 : i32
      %dma_start3A_172 = tpu.memref_slice %arg4[%add3A_148, %dma_start3A_169, %mul3A_4, %dma_start3A_170, %dma_start3A_171] : memref<100x4x128x8x128xf32, #tpu.memory_space<hbm>> -> memref<1x4x4x8x128xf32, #tpu.memory_space<hbm>>
      %dma_start3A_173 = tpu.memref_squeeze %dma_start3A_172 : memref<1x4x4x8x128xf32, #tpu.memory_space<hbm>> -> memref<4x4x8x128xf32, #tpu.memory_space<hbm>>
      %dma_start3A_174 = arith.constant 0 : i32
      %dma_start3A_175 = arith.constant 0 : i32
      %dma_start3A_176 = arith.constant 0 : i32
      %dma_start3A_177 = tpu.memref_slice %arg4[%add3A_148, %dma_start3A_174, %mul3A_4, %dma_start3A_175, %dma_start3A_176] : memref<100x4x128x8x128xf32, #tpu.memory_space<hbm>> -> memref<1x4x4x8x128xf32, #tpu.memory_space<hbm>>
      %dma_start3A_178 = tpu.memref_squeeze %dma_start3A_177 : memref<1x4x4x8x128xf32, #tpu.memory_space<hbm>> -> memref<4x4x8x128xf32, #tpu.memory_space<hbm>>
      %dma_start3A_179 = arith.constant 0 : i32
      %dma_start3A_180 = arith.constant 0 : i32
      %dma_start3A_181 = arith.constant 0 : i32
      %dma_start3A_182 = arith.constant 0 : i32
      %dma_start3A_183 = tpu.memref_slice %arg8[%dma_start3A_179, %dma_start3A_180, %dma_start3A_181, %dma_start3A_182] : memref<4x4x8x132xf32, #tpu.memory_space<vmem>> -> memref<4x4x8x128xf32, #tpu.memory_space<vmem>>
      tpu.enqueue_dma source(%dma_start3A_183 : memref<4x4x8x128xf32, #tpu.memory_space<vmem>>) target(%dma_start3A_178 : memref<4x4x8x128xf32, #tpu.memory_space<hbm>>) target_semaphore(%arg12 : memref<!tpu.dma_semaphore, #tpu.memory_space<semaphore_mem>>)
      %add3A_184 = arith.constant 2 : i32
      %add3A_185 = arith.addi %add3A_148, %add3A_184 : i32
      %lt3A_186 = arith.constant 100 : i32
      %lt3A_187 = arith.cmpi slt, %add3A_185, %lt3A_186 : i32
      %convert_element_type3A_188 = arith.extui %lt3A_187 : i1 to i32
      %cond3A_189 = arith.constant 0 : i32
      %cond3A_190 = arith.cmpi ne, %convert_element_type3A_188, %cond3A_189 : i32
      scf.if %cond3A_190 {
        %add3A_240 = arith.constant 2 : i32
        %add3A_241 = arith.addi %add3A_148, %add3A_240 : i32
        %dma_start3A_242 = arith.constant 0 : i32
        %dma_start3A_243 = tpu.memref_slice %arg5[%add3A_241, %dma_start3A_242] : memref<100x512xi32, #tpu.memory_space<vmem>> -> memref<1x512xi32, #tpu.memory_space<vmem>>
        %dma_start3A_244 = tpu.memref_squeeze %dma_start3A_243 : memref<1x512xi32, #tpu.memory_space<vmem>> -> memref<512xi32, #tpu.memory_space<vmem>>
        %dma_start3A_245 = arith.constant 0 : i32
        %dma_start3A_246 = arith.constant 0 : i32
        %dma_start3A_247 = tpu.memref_slice %arg3[%dma_start3A_245, %dma_start3A_246] : memref<1000000x32xf32, #tpu.memory_space<hbm>> -> memref<1000000x32xf32, #tpu.memory_space<hbm>>
        tpu.enqueue_indirect_dma source(%dma_start3A_247 : memref<1000000x32xf32, #tpu.memory_space<hbm>>) target(%arg6 : memref<512x32xf32, #tpu.memory_space<vmem>>) offsets(%dma_start3A_244 : memref<512xi32, #tpu.memory_space<vmem>>) semaphore(%arg10 : memref<!tpu.dma_semaphore, #tpu.memory_space<semaphore_mem>>)
      } else {
      }
      %mul3A_191 = arith.constant 2 : i32
      %mul3A_192 = arith.muli %scan3A_144, %mul3A_191 : i32
      %add3A_193 = arith.constant 1 : i32
      %add3A_194 = arith.addi %mul3A_192, %add3A_193 : i32
      %dma_wait3A_195 = arith.constant 0 : i32
      %dma_wait3A_196 = arith.constant 0 : i32
      %dma_wait3A_197 = tpu.memref_slice %arg5[%dma_wait3A_195, %dma_wait3A_196] : memref<100x512xi32, #tpu.memory_space<vmem>> -> memref<1x512xi32, #tpu.memory_space<vmem>>
      %dma_wait3A_198 = tpu.memref_squeeze %dma_wait3A_197 : memref<1x512xi32, #tpu.memory_space<vmem>> -> memref<512xi32, #tpu.memory_space<vmem>>
      %dma_wait3A_199 = arith.constant 0 : i32
      %dma_wait3A_200 = arith.constant 0 : i32
      %dma_wait3A_201 = tpu.memref_slice %arg3[%dma_wait3A_199, %dma_wait3A_200] : memref<1000000x32xf32, #tpu.memory_space<hbm>> -> memref<1000000x32xf32, #tpu.memory_space<hbm>>
      tpu.wait_indirect_dma semaphore(%arg11 : memref<!tpu.dma_semaphore, #tpu.memory_space<semaphore_mem>>) src(%dma_wait3A_201 : memref<1000000x32xf32, #tpu.memory_space<hbm>>) dst(%arg7 : memref<512x32xf32, #tpu.memory_space<vmem>>)
      %ge3A_202 = arith.constant 2 : i32
      %ge3A_203 = arith.cmpi sge, %add3A_194, %ge3A_202 : i32
      %convert_element_type3A_204 = arith.extui %ge3A_203 : i1 to i32
      %cond3A_205 = arith.constant 0 : i32
      %cond3A_206 = arith.cmpi ne, %convert_element_type3A_204, %cond3A_205 : i32
      scf.if %cond3A_206 {
        %dma_wait3A_240 = arith.constant 0 : i32
        %dma_wait3A_241 = arith.constant 0 : i32
        %dma_wait3A_242 = arith.constant 0 : i32
        %dma_wait3A_243 = arith.constant 0 : i32
        %dma_wait3A_244 = arith.constant 0 : i32
        %dma_wait3A_245 = tpu.memref_slice %arg9[%dma_wait3A_241, %dma_wait3A_242, %dma_wait3A_243, %dma_wait3A_244] : memref<4x4x8x132xf32, #tpu.memory_space<vmem>> -> memref<4x4x8x128xf32, #tpu.memory_space<vmem>>
        %dma_wait3A_246 = arith.constant 0 : i32
        %dma_wait3A_247 = arith.constant 0 : i32
        %dma_wait3A_248 = arith.constant 0 : i32
        %dma_wait3A_249 = tpu.memref_slice %arg4[%dma_wait3A_240, %dma_wait3A_246, %mul3A_4, %dma_wait3A_247, %dma_wait3A_248] : memref<100x4x128x8x128xf32, #tpu.memory_space<hbm>> -> memref<1x4x4x8x128xf32, #tpu.memory_space<hbm>>
        %dma_wait3A_250 = tpu.memref_squeeze %dma_wait3A_249 : memref<1x4x4x8x128xf32, #tpu.memory_space<hbm>> -> memref<4x4x8x128xf32, #tpu.memory_space<hbm>>
        %dma_wait3A_251 = arith.constant 0 : i32
        %dma_wait3A_252 = arith.constant 0 : i32
        %dma_wait3A_253 = arith.constant 0 : i32
        %dma_wait3A_254 = tpu.memref_slice %arg4[%dma_wait3A_240, %dma_wait3A_251, %mul3A_4, %dma_wait3A_252, %dma_wait3A_253] : memref<100x4x128x8x128xf32, #tpu.memory_space<hbm>> -> memref<1x4x4x8x128xf32, #tpu.memory_space<hbm>>
        %dma_wait3A_255 = tpu.memref_squeeze %dma_wait3A_254 : memref<1x4x4x8x128xf32, #tpu.memory_space<hbm>> -> memref<4x4x8x128xf32, #tpu.memory_space<hbm>>
        %dma_wait3A_256 = arith.constant 0 : i32
        %dma_wait3A_257 = arith.constant 0 : i32
        %dma_wait3A_258 = arith.constant 0 : i32
        %dma_wait3A_259 = arith.constant 0 : i32
        %dma_wait3A_260 = tpu.memref_slice %arg9[%dma_wait3A_256, %dma_wait3A_257, %dma_wait3A_258, %dma_wait3A_259] : memref<4x4x8x132xf32, #tpu.memory_space<vmem>> -> memref<4x4x8x128xf32, #tpu.memory_space<vmem>>
        tpu.wait_dma2 semaphore(%arg13 : memref<!tpu.dma_semaphore, #tpu.memory_space<semaphore_mem>>) src(%dma_wait3A_260 : memref<4x4x8x128xf32, #tpu.memory_space<vmem>>) dst(%dma_wait3A_255 : memref<4x4x8x128xf32, #tpu.memory_space<hbm>>)
      } else {
      }
      %scan3A_207 = arith.constant 0 : i32
      %scan3A_208 = arith.constant 0 : i32
      %scan3A_209 = arith.constant 64 : i32
      %scan3A_210 = arith.addi %scan3A_208, %scan3A_209 : i32
      %scan3A_211 = arith.constant 1 : i32
      scf.for %scan3A_240 = %scan3A_208 to %scan3A_210 step %scan3A_211  : i32 {
        %mul3A_241 = arith.constant 8 : i32
        %mul3A_242 = arith.muli %scan3A_240, %mul3A_241 : i32
        %add3A_243 = arith.constant 0 : i32
        %add3A_244 = arith.addi %mul3A_242, %add3A_243 : i32
        %jit3A_245 = arith.constant 128 : i32
        %div3A_246 = arith.divsi %add3A_244, %jit3A_245 : i32
        %sign3A_247 = arith.constant 0 : i32
        %sign3A_248 = arith.cmpi sgt, %add3A_244, %sign3A_247 : i32
        %sign3A_249 = arith.extui %sign3A_248 : i1 to i32
        %sign3A_250 = arith.constant 0 : i32
        %sign3A_251 = arith.cmpi slt, %add3A_244, %sign3A_250 : i32
        %sign3A_252 = arith.extui %sign3A_251 : i1 to i32
        %sign3A_253 = arith.subi %sign3A_249, %sign3A_252 : i32
        %sign3A_254 = arith.constant 0 : i32
        %sign3A_255 = arith.cmpi sgt, %jit3A_245, %sign3A_254 : i32
        %sign3A_256 = arith.extui %sign3A_255 : i1 to i32
        %sign3A_257 = arith.constant 0 : i32
        %sign3A_258 = arith.cmpi slt, %jit3A_245, %sign3A_257 : i32
        %sign3A_259 = arith.extui %sign3A_258 : i1 to i32
        %sign3A_260 = arith.subi %sign3A_256, %sign3A_259 : i32
        %ne3A_261 = arith.cmpi ne, %sign3A_253, %sign3A_260 : i32
        %rem3A_262 = arith.remsi %add3A_244, %jit3A_245 : i32
        %ne3A_263 = arith.constant 0 : i32
        %ne3A_264 = arith.cmpi ne, %rem3A_262, %ne3A_263 : i32
        %and3A_265 = arith.andi %ne3A_261, %ne3A_264 : i1
        %sub3A_266 = arith.constant 1 : i32
        %sub3A_267 = arith.subi %div3A_246, %sub3A_266 : i32
        %select_n3A_268 = arith.select %and3A_265, %sub3A_267, %div3A_246 : i32
        %broadcast_in_dim3A = vector.broadcast %select_n3A_268 : i32 to vector<16xi32>
        %jit3A_269 = arith.constant 128 : i32
        %eq3A_270 = arith.constant 0 : i32
        %eq3A_271 = arith.cmpi eq, %jit3A_269, %eq3A_270 : i32
        %jit3A_272 = arith.constant 1 : i32
        %select_n3A_273 = arith.select %eq3A_271, %jit3A_272, %jit3A_269 : i32
        %rem3A_274 = arith.remsi %add3A_244, %select_n3A_273 : i32
        %ne3A_275 = arith.constant 0 : i32
        %ne3A_276 = arith.cmpi ne, %rem3A_274, %ne3A_275 : i32
        %lt3A_277 = arith.constant 0 : i32
        %lt3A_278 = arith.cmpi slt, %rem3A_274, %lt3A_277 : i32
        %lt3A_279 = arith.constant 0 : i32
        %lt3A_280 = arith.cmpi slt, %select_n3A_273, %lt3A_279 : i32
        %ne3A_281 = arith.xori %lt3A_278, %lt3A_280 : i1
        %and3A_282 = arith.andi %ne3A_281, %ne3A_276 : i1
        %add3A_283 = arith.addi %rem3A_274, %select_n3A_273 : i32
        %select_n3A_284 = arith.select %and3A_282, %add3A_283, %rem3A_274 : i32
        %broadcast_in_dim3A_285 = vector.broadcast %select_n3A_284 : i32 to vector<16xi32>
        %get3A = arith.index_cast %add3A_244 : i32 to index
        %get3A_286 = arith.constant 0 : index
        %get3A_287 = tpu.vector_load %arg7[%get3A, %get3A_286] {strides = array<i32>} : memref<512x32xf32, #tpu.memory_space<vmem>>, vector<16xf32>,
        tpu.vector_store_idx %arg9[%select_n3A, %broadcast_in_dim3A, %select_n3A_84, %broadcast_in_dim3A_285], %get3A_287 : memref<4x4x8x132xf32, #tpu.memory_space<vmem>>[vector<16xi32>, vector<16xi32>, vector<16xi32>, vector<16xi32>], vector<16xf32>,
        %get3A_288 = arith.index_cast %add3A_244 : i32 to index
        %get3A_289 = arith.constant 16 : index
        %get3A_290 = tpu.vector_load %arg7[%get3A_288, %get3A_289] {strides = array<i32>} : memref<512x32xf32, #tpu.memory_space<vmem>>, vector<16xf32>,
        tpu.vector_store_idx %arg9[%select_n3A_64, %broadcast_in_dim3A, %select_n3A_84, %broadcast_in_dim3A_285], %get3A_290 : memref<4x4x8x132xf32, #tpu.memory_space<vmem>>[vector<16xi32>, vector<16xi32>, vector<16xi32>, vector<16xi32>], vector<16xf32>,
        %mul3A_291 = arith.constant 8 : i32
        %mul3A_292 = arith.muli %scan3A_240, %mul3A_291 : i32
        %add3A_293 = arith.constant 1 : i32
        %add3A_294 = arith.addi %mul3A_292, %add3A_293 : i32
        %jit3A_295 = arith.constant 128 : i32
        %div3A_296 = arith.divsi %add3A_294, %jit3A_295 : i32
        %sign3A_297 = arith.constant 0 : i32
        %sign3A_298 = arith.cmpi sgt, %add3A_294, %sign3A_297 : i32
        %sign3A_299 = arith.extui %sign3A_298 : i1 to i32
        %sign3A_300 = arith.constant 0 : i32
        %sign3A_301 = arith.cmpi slt, %add3A_294, %sign3A_300 : i32
        %sign3A_302 = arith.extui %sign3A_301 : i1 to i32
        %sign3A_303 = arith.subi %sign3A_299, %sign3A_302 : i32
        %sign3A_304 = arith.constant 0 : i32
        %sign3A_305 = arith.cmpi sgt, %jit3A_295, %sign3A_304 : i32
        %sign3A_306 = arith.extui %sign3A_305 : i1 to i32
        %sign3A_307 = arith.constant 0 : i32
        %sign3A_308 = arith.cmpi slt, %jit3A_295, %sign3A_307 : i32
        %sign3A_309 = arith.extui %sign3A_308 : i1 to i32
        %sign3A_310 = arith.subi %sign3A_306, %sign3A_309 : i32
        %ne3A_311 = arith.cmpi ne, %sign3A_303, %sign3A_310 : i32
        %rem3A_312 = arith.remsi %add3A_294, %jit3A_295 : i32
        %ne3A_313 = arith.constant 0 : i32
        %ne3A_314 = arith.cmpi ne, %rem3A_312, %ne3A_313 : i32
        %and3A_315 = arith.andi %ne3A_311, %ne3A_314 : i1
        %sub3A_316 = arith.constant 1 : i32
        %sub3A_317 = arith.subi %div3A_296, %sub3A_316 : i32
        %select_n3A_318 = arith.select %and3A_315, %sub3A_317, %div3A_296 : i32
        %broadcast_in_dim3A_319 = vector.broadcast %select_n3A_318 : i32 to vector<16xi32>
        %jit3A_320 = arith.constant 128 : i32
        %eq3A_321 = arith.constant 0 : i32
        %eq3A_322 = arith.cmpi eq, %jit3A_320, %eq3A_321 : i32
        %jit3A_323 = arith.constant 1 : i32
        %select_n3A_324 = arith.select %eq3A_322, %jit3A_323, %jit3A_320 : i32
        %rem3A_325 = arith.remsi %add3A_294, %select_n3A_324 : i32
        %ne3A_326 = arith.constant 0 : i32
        %ne3A_327 = arith.cmpi ne, %rem3A_325, %ne3A_326 : i32
        %lt3A_328 = arith.constant 0 : i32
        %lt3A_329 = arith.cmpi slt, %rem3A_325, %lt3A_328 : i32
        %lt3A_330 = arith.constant 0 : i32
        %lt3A_331 = arith.cmpi slt, %select_n3A_324, %lt3A_330 : i32
        %ne3A_332 = arith.xori %lt3A_329, %lt3A_331 : i1
        %and3A_333 = arith.andi %ne3A_332, %ne3A_327 : i1
        %add3A_334 = arith.addi %rem3A_325, %select_n3A_324 : i32
        %select_n3A_335 = arith.select %and3A_333, %add3A_334, %rem3A_325 : i32
        %broadcast_in_dim3A_336 = vector.broadcast %select_n3A_335 : i32 to vector<16xi32>
        %get3A_337 = arith.index_cast %add3A_294 : i32 to index
        %get3A_338 = arith.constant 0 : index
        %get3A_339 = tpu.vector_load %arg7[%get3A_337, %get3A_338] {strides = array<i32>} : memref<512x32xf32, #tpu.memory_space<vmem>>, vector<16xf32>,
        tpu.vector_store_idx %arg9[%select_n3A, %broadcast_in_dim3A_319, %select_n3A_84, %broadcast_in_dim3A_336], %get3A_339 : memref<4x4x8x132xf32, #tpu.memory_space<vmem>>[vector<16xi32>, vector<16xi32>, vector<16xi32>, vector<16xi32>], vector<16xf32>,
        %get3A_340 = arith.index_cast %add3A_294 : i32 to index
        %get3A_341 = arith.constant 16 : index
        %get3A_342 = tpu.vector_load %arg7[%get3A_340, %get3A_341] {strides = array<i32>} : memref<512x32xf32, #tpu.memory_space<vmem>>, vector<16xf32>,
        tpu.vector_store_idx %arg9[%select_n3A_64, %broadcast_in_dim3A_319, %select_n3A_84, %broadcast_in_dim3A_336], %get3A_342 : memref<4x4x8x132xf32, #tpu.memory_space<vmem>>[vector<16xi32>, vector<16xi32>, vector<16xi32>, vector<16xi32>], vector<16xf32>,
        %mul3A_343 = arith.constant 8 : i32
        %mul3A_344 = arith.muli %scan3A_240, %mul3A_343 : i32
        %add3A_345 = arith.constant 2 : i32
        %add3A_346 = arith.addi %mul3A_344, %add3A_345 : i32
        %jit3A_347 = arith.constant 128 : i32
        %div3A_348 = arith.divsi %add3A_346, %jit3A_347 : i32
        %sign3A_349 = arith.constant 0 : i32
        %sign3A_350 = arith.cmpi sgt, %add3A_346, %sign3A_349 : i32
        %sign3A_351 = arith.extui %sign3A_350 : i1 to i32
        %sign3A_352 = arith.constant 0 : i32
        %sign3A_353 = arith.cmpi slt, %add3A_346, %sign3A_352 : i32
        %sign3A_354 = arith.extui %sign3A_353 : i1 to i32
        %sign3A_355 = arith.subi %sign3A_351, %sign3A_354 : i32
        %sign3A_356 = arith.constant 0 : i32
        %sign3A_357 = arith.cmpi sgt, %jit3A_347, %sign3A_356 : i32
        %sign3A_358 = arith.extui %sign3A_357 : i1 to i32
        %sign3A_359 = arith.constant 0 : i32
        %sign3A_360 = arith.cmpi slt, %jit3A_347, %sign3A_359 : i32
        %sign3A_361 = arith.extui %sign3A_360 : i1 to i32
        %sign3A_362 = arith.subi %sign3A_358, %sign3A_361 : i32
        %ne3A_363 = arith.cmpi ne, %sign3A_355, %sign3A_362 : i32
        %rem3A_364 = arith.remsi %add3A_346, %jit3A_347 : i32
        %ne3A_365 = arith.constant 0 : i32
        %ne3A_366 = arith.cmpi ne, %rem3A_364, %ne3A_365 : i32
        %and3A_367 = arith.andi %ne3A_363, %ne3A_366 : i1
        %sub3A_368 = arith.constant 1 : i32
        %sub3A_369 = arith.subi %div3A_348, %sub3A_368 : i32
        %select_n3A_370 = arith.select %and3A_367, %sub3A_369, %div3A_348 : i32
        %broadcast_in_dim3A_371 = vector.broadcast %select_n3A_370 : i32 to vector<16xi32>
        %jit3A_372 = arith.constant 128 : i32
        %eq3A_373 = arith.constant 0 : i32
        %eq3A_374 = arith.cmpi eq, %jit3A_372, %eq3A_373 : i32
        %jit3A_375 = arith.constant 1 : i32
        %select_n3A_376 = arith.select %eq3A_374, %jit3A_375, %jit3A_372 : i32
        %rem3A_377 = arith.remsi %add3A_346, %select_n3A_376 : i32
        %ne3A_378 = arith.constant 0 : i32
        %ne3A_379 = arith.cmpi ne, %rem3A_377, %ne3A_378 : i32
        %lt3A_380 = arith.constant 0 : i32
        %lt3A_381 = arith.cmpi slt, %rem3A_377, %lt3A_380 : i32
        %lt3A_382 = arith.constant 0 : i32
        %lt3A_383 = arith.cmpi slt, %select_n3A_376, %lt3A_382 : i32
        %ne3A_384 = arith.xori %lt3A_381, %lt3A_383 : i1
        %and3A_385 = arith.andi %ne3A_384, %ne3A_379 : i1
        %add3A_386 = arith.addi %rem3A_377, %select_n3A_376 : i32
        %select_n3A_387 = arith.select %and3A_385, %add3A_386, %rem3A_377 : i32
        %broadcast_in_dim3A_388 = vector.broadcast %select_n3A_387 : i32 to vector<16xi32>
        %get3A_389 = arith.index_cast %add3A_346 : i32 to index
        %get3A_390 = arith.constant 0 : index
        %get3A_391 = tpu.vector_load %arg7[%get3A_389, %get3A_390] {strides = array<i32>} : memref<512x32xf32, #tpu.memory_space<vmem>>, vector<16xf32>,
        tpu.vector_store_idx %arg9[%select_n3A, %broadcast_in_dim3A_371, %select_n3A_84, %broadcast_in_dim3A_388], %get3A_391 : memref<4x4x8x132xf32, #tpu.memory_space<vmem>>[vector<16xi32>, vector<16xi32>, vector<16xi32>, vector<16xi32>], vector<16xf32>,
        %get3A_392 = arith.index_cast %add3A_346 : i32 to index
        %get3A_393 = arith.constant 16 : index
        %get3A_394 = tpu.vector_load %arg7[%get3A_392, %get3A_393] {strides = array<i32>} : memref<512x32xf32, #tpu.memory_space<vmem>>, vector<16xf32>,
        tpu.vector_store_idx %arg9[%select_n3A_64, %broadcast_in_dim3A_371, %select_n3A_84, %broadcast_in_dim3A_388], %get3A_394 : memref<4x4x8x132xf32, #tpu.memory_space<vmem>>[vector<16xi32>, vector<16xi32>, vector<16xi32>, vector<16xi32>], vector<16xf32>,
        %mul3A_395 = arith.constant 8 : i32
        %mul3A_396 = arith.muli %scan3A_240, %mul3A_395 : i32
        %add3A_397 = arith.constant 3 : i32
        %add3A_398 = arith.addi %mul3A_396, %add3A_397 : i32
        %jit3A_399 = arith.constant 128 : i32
        %div3A_400 = arith.divsi %add3A_398, %jit3A_399 : i32
        %sign3A_401 = arith.constant 0 : i32
        %sign3A_402 = arith.cmpi sgt, %add3A_398, %sign3A_401 : i32
        %sign3A_403 = arith.extui %sign3A_402 : i1 to i32
        %sign3A_404 = arith.constant 0 : i32
        %sign3A_405 = arith.cmpi slt, %add3A_398, %sign3A_404 : i32
        %sign3A_406 = arith.extui %sign3A_405 : i1 to i32
        %sign3A_407 = arith.subi %sign3A_403, %sign3A_406 : i32
        %sign3A_408 = arith.constant 0 : i32
        %sign3A_409 = arith.cmpi sgt, %jit3A_399, %sign3A_408 : i32
        %sign3A_410 = arith.extui %sign3A_409 : i1 to i32
        %sign3A_411 = arith.constant 0 : i32
        %sign3A_412 = arith.cmpi slt, %jit3A_399, %sign3A_411 : i32
        %sign3A_413 = arith.extui %sign3A_412 : i1 to i32
        %sign3A_414 = arith.subi %sign3A_410, %sign3A_413 : i32
        %ne3A_415 = arith.cmpi ne, %sign3A_407, %sign3A_414 : i32
        %rem3A_416 = arith.remsi %add3A_398, %jit3A_399 : i32
        %ne3A_417 = arith.constant 0 : i32
        %ne3A_418 = arith.cmpi ne, %rem3A_416, %ne3A_417 : i32
        %and3A_419 = arith.andi %ne3A_415, %ne3A_418 : i1
        %sub3A_420 = arith.constant 1 : i32
        %sub3A_421 = arith.subi %div3A_400, %sub3A_420 : i32
        %select_n3A_422 = arith.select %and3A_419, %sub3A_421, %div3A_400 : i32
        %broadcast_in_dim3A_423 = vector.broadcast %select_n3A_422 : i32 to vector<16xi32>
        %jit3A_424 = arith.constant 128 : i32
        %eq3A_425 = arith.constant 0 : i32
        %eq3A_426 = arith.cmpi eq, %jit3A_424, %eq3A_425 : i32
        %jit3A_427 = arith.constant 1 : i32
        %select_n3A_428 = arith.select %eq3A_426, %jit3A_427, %jit3A_424 : i32
        %rem3A_429 = arith.remsi %add3A_398, %select_n3A_428 : i32
        %ne3A_430 = arith.constant 0 : i32
        %ne3A_431 = arith.cmpi ne, %rem3A_429, %ne3A_430 : i32
        %lt3A_432 = arith.constant 0 : i32
        %lt3A_433 = arith.cmpi slt, %rem3A_429, %lt3A_432 : i32
        %lt3A_434 = arith.constant 0 : i32
        %lt3A_435 = arith.cmpi slt, %select_n3A_428, %lt3A_434 : i32
        %ne3A_436 = arith.xori %lt3A_433, %lt3A_435 : i1
        %and3A_437 = arith.andi %ne3A_436, %ne3A_431 : i1
        %add3A_438 = arith.addi %rem3A_429, %select_n3A_428 : i32
        %select_n3A_439 = arith.select %and3A_437, %add3A_438, %rem3A_429 : i32
        %broadcast_in_dim3A_440 = vector.broadcast %select_n3A_439 : i32 to vector<16xi32>
        %get3A_441 = arith.index_cast %add3A_398 : i32 to index
        %get3A_442 = arith.constant 0 : index
        %get3A_443 = tpu.vector_load %arg7[%get3A_441, %get3A_442] {strides = array<i32>} : memref<512x32xf32, #tpu.memory_space<vmem>>, vector<16xf32>,
        tpu.vector_store_idx %arg9[%select_n3A, %broadcast_in_dim3A_423, %select_n3A_84, %broadcast_in_dim3A_440], %get3A_443 : memref<4x4x8x132xf32, #tpu.memory_space<vmem>>[vector<16xi32>, vector<16xi32>, vector<16xi32>, vector<16xi32>], vector<16xf32>,
        %get3A_444 = arith.index_cast %add3A_398 : i32 to index
        %get3A_445 = arith.constant 16 : index
        %get3A_446 = tpu.vector_load %arg7[%get3A_444, %get3A_445] {strides = array<i32>} : memref<512x32xf32, #tpu.memory_space<vmem>>, vector<16xf32>,
        tpu.vector_store_idx %arg9[%select_n3A_64, %broadcast_in_dim3A_423, %select_n3A_84, %broadcast_in_dim3A_440], %get3A_446 : memref<4x4x8x132xf32, #tpu.memory_space<vmem>>[vector<16xi32>, vector<16xi32>, vector<16xi32>, vector<16xi32>], vector<16xf32>,
        %mul3A_447 = arith.constant 8 : i32
        %mul3A_448 = arith.muli %scan3A_240, %mul3A_447 : i32
        %add3A_449 = arith.constant 4 : i32
        %add3A_450 = arith.addi %mul3A_448, %add3A_449 : i32
        %jit3A_451 = arith.constant 128 : i32
        %div3A_452 = arith.divsi %add3A_450, %jit3A_451 : i32
        %sign3A_453 = arith.constant 0 : i32
        %sign3A_454 = arith.cmpi sgt, %add3A_450, %sign3A_453 : i32
        %sign3A_455 = arith.extui %sign3A_454 : i1 to i32
        %sign3A_456 = arith.constant 0 : i32
        %sign3A_457 = arith.cmpi slt, %add3A_450, %sign3A_456 : i32
        %sign3A_458 = arith.extui %sign3A_457 : i1 to i32
        %sign3A_459 = arith.subi %sign3A_455, %sign3A_458 : i32
        %sign3A_460 = arith.constant 0 : i32
        %sign3A_461 = arith.cmpi sgt, %jit3A_451, %sign3A_460 : i32
        %sign3A_462 = arith.extui %sign3A_461 : i1 to i32
        %sign3A_463 = arith.constant 0 : i32
        %sign3A_464 = arith.cmpi slt, %jit3A_451, %sign3A_463 : i32
        %sign3A_465 = arith.extui %sign3A_464 : i1 to i32
        %sign3A_466 = arith.subi %sign3A_462, %sign3A_465 : i32
        %ne3A_467 = arith.cmpi ne, %sign3A_459, %sign3A_466 : i32
        %rem3A_468 = arith.remsi %add3A_450, %jit3A_451 : i32
        %ne3A_469 = arith.constant 0 : i32
        %ne3A_470 = arith.cmpi ne, %rem3A_468, %ne3A_469 : i32
        %and3A_471 = arith.andi %ne3A_467, %ne3A_470 : i1
        %sub3A_472 = arith.constant 1 : i32
        %sub3A_473 = arith.subi %div3A_452, %sub3A_472 : i32
        %select_n3A_474 = arith.select %and3A_471, %sub3A_473, %div3A_452 : i32
        %broadcast_in_dim3A_475 = vector.broadcast %select_n3A_474 : i32 to vector<16xi32>
        %jit3A_476 = arith.constant 128 : i32
        %eq3A_477 = arith.constant 0 : i32
        %eq3A_478 = arith.cmpi eq, %jit3A_476, %eq3A_477 : i32
        %jit3A_479 = arith.constant 1 : i32
        %select_n3A_480 = arith.select %eq3A_478, %jit3A_479, %jit3A_476 : i32
        %rem3A_481 = arith.remsi %add3A_450, %select_n3A_480 : i32
        %ne3A_482 = arith.constant 0 : i32
        %ne3A_483 = arith.cmpi ne, %rem3A_481, %ne3A_482 : i32
        %lt3A_484 = arith.constant 0 : i32
        %lt3A_485 = arith.cmpi slt, %rem3A_481, %lt3A_484 : i32
        %lt3A_486 = arith.constant 0 : i32
        %lt3A_487 = arith.cmpi slt, %select_n3A_480, %lt3A_486 : i32
        %ne3A_488 = arith.xori %lt3A_485, %lt3A_487 : i1
        %and3A_489 = arith.andi %ne3A_488, %ne3A_483 : i1
        %add3A_490 = arith.addi %rem3A_481, %select_n3A_480 : i32
        %select_n3A_491 = arith.select %and3A_489, %add3A_490, %rem3A_481 : i32
        %broadcast_in_dim3A_492 = vector.broadcast %select_n3A_491 : i32 to vector<16xi32>
        %get3A_493 = arith.index_cast %add3A_450 : i32 to index
        %get3A_494 = arith.constant 0 : index
        %get3A_495 = tpu.vector_load %arg7[%get3A_493, %get3A_494] {strides = array<i32>} : memref<512x32xf32, #tpu.memory_space<vmem>>, vector<16xf32>,
        tpu.vector_store_idx %arg9[%select_n3A, %broadcast_in_dim3A_475, %select_n3A_84, %broadcast_in_dim3A_492], %get3A_495 : memref<4x4x8x132xf32, #tpu.memory_space<vmem>>[vector<16xi32>, vector<16xi32>, vector<16xi32>, vector<16xi32>], vector<16xf32>,
        %get3A_496 = arith.index_cast %add3A_450 : i32 to index
        %get3A_497 = arith.constant 16 : index
        %get3A_498 = tpu.vector_load %arg7[%get3A_496, %get3A_497] {strides = array<i32>} : memref<512x32xf32, #tpu.memory_space<vmem>>, vector<16xf32>,
        tpu.vector_store_idx %arg9[%select_n3A_64, %broadcast_in_dim3A_475, %select_n3A_84, %broadcast_in_dim3A_492], %get3A_498 : memref<4x4x8x132xf32, #tpu.memory_space<vmem>>[vector<16xi32>, vector<16xi32>, vector<16xi32>, vector<16xi32>], vector<16xf32>,
        %mul3A_499 = arith.constant 8 : i32
        %mul3A_500 = arith.muli %scan3A_240, %mul3A_499 : i32
        %add3A_501 = arith.constant 5 : i32
        %add3A_502 = arith.addi %mul3A_500, %add3A_501 : i32
        %jit3A_503 = arith.constant 128 : i32
        %div3A_504 = arith.divsi %add3A_502, %jit3A_503 : i32
        %sign3A_505 = arith.constant 0 : i32
        %sign3A_506 = arith.cmpi sgt, %add3A_502, %sign3A_505 : i32
        %sign3A_507 = arith.extui %sign3A_506 : i1 to i32
        %sign3A_508 = arith.constant 0 : i32
        %sign3A_509 = arith.cmpi slt, %add3A_502, %sign3A_508 : i32
        %sign3A_510 = arith.extui %sign3A_509 : i1 to i32
        %sign3A_511 = arith.subi %sign3A_507, %sign3A_510 : i32
        %sign3A_512 = arith.constant 0 : i32
        %sign3A_513 = arith.cmpi sgt, %jit3A_503, %sign3A_512 : i32
        %sign3A_514 = arith.extui %sign3A_513 : i1 to i32
        %sign3A_515 = arith.constant 0 : i32
        %sign3A_516 = arith.cmpi slt, %jit3A_503, %sign3A_515 : i32
        %sign3A_517 = arith.extui %sign3A_516 : i1 to i32
        %sign3A_518 = arith.subi %sign3A_514, %sign3A_517 : i32
        %ne3A_519 = arith.cmpi ne, %sign3A_511, %sign3A_518 : i32
        %rem3A_520 = arith.remsi %add3A_502, %jit3A_503 : i32
        %ne3A_521 = arith.constant 0 : i32
        %ne3A_522 = arith.cmpi ne, %rem3A_520, %ne3A_521 : i32
        %and3A_523 = arith.andi %ne3A_519, %ne3A_522 : i1
        %sub3A_524 = arith.constant 1 : i32
        %sub3A_525 = arith.subi %div3A_504, %sub3A_524 : i32
        %select_n3A_526 = arith.select %and3A_523, %sub3A_525, %div3A_504 : i32
        %broadcast_in_dim3A_527 = vector.broadcast %select_n3A_526 : i32 to vector<16xi32>
        %jit3A_528 = arith.constant 128 : i32
        %eq3A_529 = arith.constant 0 : i32
        %eq3A_530 = arith.cmpi eq, %jit3A_528, %eq3A_529 : i32
        %jit3A_531 = arith.constant 1 : i32
        %select_n3A_532 = arith.select %eq3A_530, %jit3A_531, %jit3A_528 : i32
        %rem3A_533 = arith.remsi %add3A_502, %select_n3A_532 : i32
        %ne3A_534 = arith.constant 0 : i32
        %ne3A_535 = arith.cmpi ne, %rem3A_533, %ne3A_534 : i32
        %lt3A_536 = arith.constant 0 : i32
        %lt3A_537 = arith.cmpi slt, %rem3A_533, %lt3A_536 : i32
        %lt3A_538 = arith.constant 0 : i32
        %lt3A_539 = arith.cmpi slt, %select_n3A_532, %lt3A_538 : i32
        %ne3A_540 = arith.xori %lt3A_537, %lt3A_539 : i1
        %and3A_541 = arith.andi %ne3A_540, %ne3A_535 : i1
        %add3A_542 = arith.addi %rem3A_533, %select_n3A_532 : i32
        %select_n3A_543 = arith.select %and3A_541, %add3A_542, %rem3A_533 : i32
        %broadcast_in_dim3A_544 = vector.broadcast %select_n3A_543 : i32 to vector<16xi32>
        %get3A_545 = arith.index_cast %add3A_502 : i32 to index
        %get3A_546 = arith.constant 0 : index
        %get3A_547 = tpu.vector_load %arg7[%get3A_545, %get3A_546] {strides = array<i32>} : memref<512x32xf32, #tpu.memory_space<vmem>>, vector<16xf32>,
        tpu.vector_store_idx %arg9[%select_n3A, %broadcast_in_dim3A_527, %select_n3A_84, %broadcast_in_dim3A_544], %get3A_547 : memref<4x4x8x132xf32, #tpu.memory_space<vmem>>[vector<16xi32>, vector<16xi32>, vector<16xi32>, vector<16xi32>], vector<16xf32>,
        %get3A_548 = arith.index_cast %add3A_502 : i32 to index
        %get3A_549 = arith.constant 16 : index
        %get3A_550 = tpu.vector_load %arg7[%get3A_548, %get3A_549] {strides = array<i32>} : memref<512x32xf32, #tpu.memory_space<vmem>>, vector<16xf32>,
        tpu.vector_store_idx %arg9[%select_n3A_64, %broadcast_in_dim3A_527, %select_n3A_84, %broadcast_in_dim3A_544], %get3A_550 : memref<4x4x8x132xf32, #tpu.memory_space<vmem>>[vector<16xi32>, vector<16xi32>, vector<16xi32>, vector<16xi32>], vector<16xf32>,
        %mul3A_551 = arith.constant 8 : i32
        %mul3A_552 = arith.muli %scan3A_240, %mul3A_551 : i32
        %add3A_553 = arith.constant 6 : i32
        %add3A_554 = arith.addi %mul3A_552, %add3A_553 : i32
        %jit3A_555 = arith.constant 128 : i32
        %div3A_556 = arith.divsi %add3A_554, %jit3A_555 : i32
        %sign3A_557 = arith.constant 0 : i32
        %sign3A_558 = arith.cmpi sgt, %add3A_554, %sign3A_557 : i32
        %sign3A_559 = arith.extui %sign3A_558 : i1 to i32
        %sign3A_560 = arith.constant 0 : i32
        %sign3A_561 = arith.cmpi slt, %add3A_554, %sign3A_560 : i32
        %sign3A_562 = arith.extui %sign3A_561 : i1 to i32
        %sign3A_563 = arith.subi %sign3A_559, %sign3A_562 : i32
        %sign3A_564 = arith.constant 0 : i32
        %sign3A_565 = arith.cmpi sgt, %jit3A_555, %sign3A_564 : i32
        %sign3A_566 = arith.extui %sign3A_565 : i1 to i32
        %sign3A_567 = arith.constant 0 : i32
        %sign3A_568 = arith.cmpi slt, %jit3A_555, %sign3A_567 : i32
        %sign3A_569 = arith.extui %sign3A_568 : i1 to i32
        %sign3A_570 = arith.subi %sign3A_566, %sign3A_569 : i32
        %ne3A_571 = arith.cmpi ne, %sign3A_563, %sign3A_570 : i32
        %rem3A_572 = arith.remsi %add3A_554, %jit3A_555 : i32
        %ne3A_573 = arith.constant 0 : i32
        %ne3A_574 = arith.cmpi ne, %rem3A_572, %ne3A_573 : i32
        %and3A_575 = arith.andi %ne3A_571, %ne3A_574 : i1
        %sub3A_576 = arith.constant 1 : i32
        %sub3A_577 = arith.subi %div3A_556, %sub3A_576 : i32
        %select_n3A_578 = arith.select %and3A_575, %sub3A_577, %div3A_556 : i32
        %broadcast_in_dim3A_579 = vector.broadcast %select_n3A_578 : i32 to vector<16xi32>
        %jit3A_580 = arith.constant 128 : i32
        %eq3A_581 = arith.constant 0 : i32
        %eq3A_582 = arith.cmpi eq, %jit3A_580, %eq3A_581 : i32
        %jit3A_583 = arith.constant 1 : i32
        %select_n3A_584 = arith.select %eq3A_582, %jit3A_583, %jit3A_580 : i32
        %rem3A_585 = arith.remsi %add3A_554, %select_n3A_584 : i32
        %ne3A_586 = arith.constant 0 : i32
        %ne3A_587 = arith.cmpi ne, %rem3A_585, %ne3A_586 : i32
        %lt3A_588 = arith.constant 0 : i32
        %lt3A_589 = arith.cmpi slt, %rem3A_585, %lt3A_588 : i32
        %lt3A_590 = arith.constant 0 : i32
        %lt3A_591 = arith.cmpi slt, %select_n3A_584, %lt3A_590 : i32
        %ne3A_592 = arith.xori %lt3A_589, %lt3A_591 : i1
        %and3A_593 = arith.andi %ne3A_592, %ne3A_587 : i1
        %add3A_594 = arith.addi %rem3A_585, %select_n3A_584 : i32
        %select_n3A_595 = arith.select %and3A_593, %add3A_594, %rem3A_585 : i32
        %broadcast_in_dim3A_596 = vector.broadcast %select_n3A_595 : i32 to vector<16xi32>
        %get3A_597 = arith.index_cast %add3A_554 : i32 to index
        %get3A_598 = arith.constant 0 : index
        %get3A_599 = tpu.vector_load %arg7[%get3A_597, %get3A_598] {strides = array<i32>} : memref<512x32xf32, #tpu.memory_space<vmem>>, vector<16xf32>,
        tpu.vector_store_idx %arg9[%select_n3A, %broadcast_in_dim3A_579, %select_n3A_84, %broadcast_in_dim3A_596], %get3A_599 : memref<4x4x8x132xf32, #tpu.memory_space<vmem>>[vector<16xi32>, vector<16xi32>, vector<16xi32>, vector<16xi32>], vector<16xf32>,
        %get3A_600 = arith.index_cast %add3A_554 : i32 to index
        %get3A_601 = arith.constant 16 : index
        %get3A_602 = tpu.vector_load %arg7[%get3A_600, %get3A_601] {strides = array<i32>} : memref<512x32xf32, #tpu.memory_space<vmem>>, vector<16xf32>,
        tpu.vector_store_idx %arg9[%select_n3A_64, %broadcast_in_dim3A_579, %select_n3A_84, %broadcast_in_dim3A_596], %get3A_602 : memref<4x4x8x132xf32, #tpu.memory_space<vmem>>[vector<16xi32>, vector<16xi32>, vector<16xi32>, vector<16xi32>], vector<16xf32>,
        %mul3A_603 = arith.constant 8 : i32
        %mul3A_604 = arith.muli %scan3A_240, %mul3A_603 : i32
        %add3A_605 = arith.constant 7 : i32
        %add3A_606 = arith.addi %mul3A_604, %add3A_605 : i32
        %jit3A_607 = arith.constant 128 : i32
        %div3A_608 = arith.divsi %add3A_606, %jit3A_607 : i32
        %sign3A_609 = arith.constant 0 : i32
        %sign3A_610 = arith.cmpi sgt, %add3A_606, %sign3A_609 : i32
        %sign3A_611 = arith.extui %sign3A_610 : i1 to i32
        %sign3A_612 = arith.constant 0 : i32
        %sign3A_613 = arith.cmpi slt, %add3A_606, %sign3A_612 : i32
        %sign3A_614 = arith.extui %sign3A_613 : i1 to i32
        %sign3A_615 = arith.subi %sign3A_611, %sign3A_614 : i32
        %sign3A_616 = arith.constant 0 : i32
        %sign3A_617 = arith.cmpi sgt, %jit3A_607, %sign3A_616 : i32
        %sign3A_618 = arith.extui %sign3A_617 : i1 to i32
        %sign3A_619 = arith.constant 0 : i32
        %sign3A_620 = arith.cmpi slt, %jit3A_607, %sign3A_619 : i32
        %sign3A_621 = arith.extui %sign3A_620 : i1 to i32
        %sign3A_622 = arith.subi %sign3A_618, %sign3A_621 : i32
        %ne3A_623 = arith.cmpi ne, %sign3A_615, %sign3A_622 : i32
        %rem3A_624 = arith.remsi %add3A_606, %jit3A_607 : i32
        %ne3A_625 = arith.constant 0 : i32
        %ne3A_626 = arith.cmpi ne, %rem3A_624, %ne3A_625 : i32
        %and3A_627 = arith.andi %ne3A_623, %ne3A_626 : i1
        %sub3A_628 = arith.constant 1 : i32
        %sub3A_629 = arith.subi %div3A_608, %sub3A_628 : i32
        %select_n3A_630 = arith.select %and3A_627, %sub3A_629, %div3A_608 : i32
        %broadcast_in_dim3A_631 = vector.broadcast %select_n3A_630 : i32 to vector<16xi32>
        %jit3A_632 = arith.constant 128 : i32
        %eq3A_633 = arith.constant 0 : i32
        %eq3A_634 = arith.cmpi eq, %jit3A_632, %eq3A_633 : i32
        %jit3A_635 = arith.constant 1 : i32
        %select_n3A_636 = arith.select %eq3A_634, %jit3A_635, %jit3A_632 : i32
        %rem3A_637 = arith.remsi %add3A_606, %select_n3A_636 : i32
        %ne3A_638 = arith.constant 0 : i32
        %ne3A_639 = arith.cmpi ne, %rem3A_637, %ne3A_638 : i32
        %lt3A_640 = arith.constant 0 : i32
        %lt3A_641 = arith.cmpi slt, %rem3A_637, %lt3A_640 : i32
        %lt3A_642 = arith.constant 0 : i32
        %lt3A_643 = arith.cmpi slt, %select_n3A_636, %lt3A_642 : i32
        %ne3A_644 = arith.xori %lt3A_641, %lt3A_643 : i1
        %and3A_645 = arith.andi %ne3A_644, %ne3A_639 : i1
        %add3A_646 = arith.addi %rem3A_637, %select_n3A_636 : i32
        %select_n3A_647 = arith.select %and3A_645, %add3A_646, %rem3A_637 : i32
        %broadcast_in_dim3A_648 = vector.broadcast %select_n3A_647 : i32 to vector<16xi32>
        %get3A_649 = arith.index_cast %add3A_606 : i32 to index
        %get3A_650 = arith.constant 0 : index
        %get3A_651 = tpu.vector_load %arg7[%get3A_649, %get3A_650] {strides = array<i32>} : memref<512x32xf32, #tpu.memory_space<vmem>>, vector<16xf32>,
        tpu.vector_store_idx %arg9[%select_n3A, %broadcast_in_dim3A_631, %select_n3A_84, %broadcast_in_dim3A_648], %get3A_651 : memref<4x4x8x132xf32, #tpu.memory_space<vmem>>[vector<16xi32>, vector<16xi32>, vector<16xi32>, vector<16xi32>], vector<16xf32>,
        %get3A_652 = arith.index_cast %add3A_606 : i32 to index
        %get3A_653 = arith.constant 16 : index
        %get3A_654 = tpu.vector_load %arg7[%get3A_652, %get3A_653] {strides = array<i32>} : memref<512x32xf32, #tpu.memory_space<vmem>>, vector<16xf32>,
        tpu.vector_store_idx %arg9[%select_n3A_64, %broadcast_in_dim3A_631, %select_n3A_84, %broadcast_in_dim3A_648], %get3A_654 : memref<4x4x8x132xf32, #tpu.memory_space<vmem>>[vector<16xi32>, vector<16xi32>, vector<16xi32>, vector<16xi32>], vector<16xf32>,
      }
      %scan3A_212 = arith.constant 64 : i32
      %dma_start3A_213 = arith.constant 0 : i32
      %dma_start3A_214 = arith.constant 0 : i32
      %dma_start3A_215 = arith.constant 0 : i32
      %dma_start3A_216 = arith.constant 0 : i32
      %dma_start3A_217 = tpu.memref_slice %arg9[%dma_start3A_213, %dma_start3A_214, %dma_start3A_215, %dma_start3A_216] : memref<4x4x8x132xf32, #tpu.memory_space<vmem>> -> memref<4x4x8x128xf32, #tpu.memory_space<vmem>>
      %dma_start3A_218 = arith.constant 0 : i32
      %dma_start3A_219 = arith.constant 0 : i32
      %dma_start3A_220 = arith.constant 0 : i32
      %dma_start3A_221 = tpu.memref_slice %arg4[%add3A_194, %dma_start3A_218, %mul3A_4, %dma_start3A_219, %dma_start3A_220] : memref<100x4x128x8x128xf32, #tpu.memory_space<hbm>> -> memref<1x4x4x8x128xf32, #tpu.memory_space<hbm>>
      %dma_start3A_222 = tpu.memref_squeeze %dma_start3A_221 : memref<1x4x4x8x128xf32, #tpu.memory_space<hbm>> -> memref<4x4x8x128xf32, #tpu.memory_space<hbm>>
      %dma_start3A_223 = arith.constant 0 : i32
      %dma_start3A_224 = arith.constant 0 : i32
      %dma_start3A_225 = arith.constant 0 : i32
      %dma_start3A_226 = tpu.memref_slice %arg4[%add3A_194, %dma_start3A_223, %mul3A_4, %dma_start3A_224, %dma_start3A_225] : memref<100x4x128x8x128xf32, #tpu.memory_space<hbm>> -> memref<1x4x4x8x128xf32, #tpu.memory_space<hbm>>
      %dma_start3A_227 = tpu.memref_squeeze %dma_start3A_226 : memref<1x4x4x8x128xf32, #tpu.memory_space<hbm>> -> memref<4x4x8x128xf32, #tpu.memory_space<hbm>>
      %dma_start3A_228 = arith.constant 0 : i32
      %dma_start3A_229 = arith.constant 0 : i32
      %dma_start3A_230 = arith.constant 0 : i32
      %dma_start3A_231 = arith.constant 0 : i32
      %dma_start3A_232 = tpu.memref_slice %arg9[%dma_start3A_228, %dma_start3A_229, %dma_start3A_230, %dma_start3A_231] : memref<4x4x8x132xf32, #tpu.memory_space<vmem>> -> memref<4x4x8x128xf32, #tpu.memory_space<vmem>>
      tpu.enqueue_dma source(%dma_start3A_232 : memref<4x4x8x128xf32, #tpu.memory_space<vmem>>) target(%dma_start3A_227 : memref<4x4x8x128xf32, #tpu.memory_space<hbm>>) target_semaphore(%arg13 : memref<!tpu.dma_semaphore, #tpu.memory_space<semaphore_mem>>)
      %add3A_233 = arith.constant 2 : i32
      %add3A_234 = arith.addi %add3A_194, %add3A_233 : i32
      %lt3A_235 = arith.constant 100 : i32
      %lt3A_236 = arith.cmpi slt, %add3A_234, %lt3A_235 : i32
      %convert_element_type3A_237 = arith.extui %lt3A_236 : i1 to i32
      %cond3A_238 = arith.constant 0 : i32
      %cond3A_239 = arith.cmpi ne, %convert_element_type3A_237, %cond3A_238 : i32
      scf.if %cond3A_239 {
        %add3A_240 = arith.constant 2 : i32
        %add3A_241 = arith.addi %add3A_194, %add3A_240 : i32
        %dma_start3A_242 = arith.constant 0 : i32
        %dma_start3A_243 = tpu.memref_slice %arg5[%add3A_241, %dma_start3A_242] : memref<100x512xi32, #tpu.memory_space<vmem>> -> memref<1x512xi32, #tpu.memory_space<vmem>>
        %dma_start3A_244 = tpu.memref_squeeze %dma_start3A_243 : memref<1x512xi32, #tpu.memory_space<vmem>> -> memref<512xi32, #tpu.memory_space<vmem>>
        %dma_start3A_245 = arith.constant 0 : i32
        %dma_start3A_246 = arith.constant 0 : i32
        %dma_start3A_247 = tpu.memref_slice %arg3[%dma_start3A_245, %dma_start3A_246] : memref<1000000x32xf32, #tpu.memory_space<hbm>> -> memref<1000000x32xf32, #tpu.memory_space<hbm>>
        tpu.enqueue_indirect_dma source(%dma_start3A_247 : memref<1000000x32xf32, #tpu.memory_space<hbm>>) target(%arg7 : memref<512x32xf32, #tpu.memory_space<vmem>>) offsets(%dma_start3A_244 : memref<512xi32, #tpu.memory_space<vmem>>) semaphore(%arg11 : memref<!tpu.dma_semaphore, #tpu.memory_space<semaphore_mem>>)
      } else {
      }
    }
    %scan3A_102 = arith.constant 50 : i32
    %dma_wait3A = arith.constant 0 : i32
    %dma_wait3A_103 = arith.constant 0 : i32
    %dma_wait3A_104 = arith.constant 0 : i32
    %dma_wait3A_105 = arith.constant 0 : i32
    %dma_wait3A_106 = arith.constant 0 : i32
    %dma_wait3A_107 = tpu.memref_slice %arg8[%dma_wait3A_103, %dma_wait3A_104, %dma_wait3A_105, %dma_wait3A_106] : memref<4x4x8x132xf32, #tpu.memory_space<vmem>> -> memref<4x4x8x128xf32, #tpu.memory_space<vmem>>
    %dma_wait3A_108 = arith.constant 0 : i32
    %dma_wait3A_109 = arith.constant 0 : i32
    %dma_wait3A_110 = arith.constant 0 : i32
    %dma_wait3A_111 = tpu.memref_slice %arg4[%dma_wait3A, %dma_wait3A_108, %mul3A_4, %dma_wait3A_109, %dma_wait3A_110] : memref<100x4x128x8x128xf32, #tpu.memory_space<hbm>> -> memref<1x4x4x8x128xf32, #tpu.memory_space<hbm>>
    %dma_wait3A_112 = tpu.memref_squeeze %dma_wait3A_111 : memref<1x4x4x8x128xf32, #tpu.memory_space<hbm>> -> memref<4x4x8x128xf32, #tpu.memory_space<hbm>>
    %dma_wait3A_113 = arith.constant 0 : i32
    %dma_wait3A_114 = arith.constant 0 : i32
    %dma_wait3A_115 = arith.constant 0 : i32
    %dma_wait3A_116 = tpu.memref_slice %arg4[%dma_wait3A, %dma_wait3A_113, %mul3A_4, %dma_wait3A_114, %dma_wait3A_115] : memref<100x4x128x8x128xf32, #tpu.memory_space<hbm>> -> memref<1x4x4x8x128xf32, #tpu.memory_space<hbm>>
    %dma_wait3A_117 = tpu.memref_squeeze %dma_wait3A_116 : memref<1x4x4x8x128xf32, #tpu.memory_space<hbm>> -> memref<4x4x8x128xf32, #tpu.memory_space<hbm>>
    %dma_wait3A_118 = arith.constant 0 : i32
    %dma_wait3A_119 = arith.constant 0 : i32
    %dma_wait3A_120 = arith.constant 0 : i32
    %dma_wait3A_121 = arith.constant 0 : i32
    %dma_wait3A_122 = tpu.memref_slice %arg8[%dma_wait3A_118, %dma_wait3A_119, %dma_wait3A_120, %dma_wait3A_121] : memref<4x4x8x132xf32, #tpu.memory_space<vmem>> -> memref<4x4x8x128xf32, #tpu.memory_space<vmem>>
    tpu.wait_dma2 semaphore(%arg12 : memref<!tpu.dma_semaphore, #tpu.memory_space<semaphore_mem>>) src(%dma_wait3A_122 : memref<4x4x8x128xf32, #tpu.memory_space<vmem>>) dst(%dma_wait3A_117 : memref<4x4x8x128xf32, #tpu.memory_space<hbm>>)
    %dma_wait3A_123 = arith.constant 0 : i32
    %dma_wait3A_124 = arith.constant 0 : i32
    %dma_wait3A_125 = arith.constant 0 : i32
    %dma_wait3A_126 = arith.constant 0 : i32
    %dma_wait3A_127 = arith.constant 0 : i32
    %dma_wait3A_128 = tpu.memref_slice %arg9[%dma_wait3A_124, %dma_wait3A_125, %dma_wait3A_126, %dma_wait3A_127] : memref<4x4x8x132xf32, #tpu.memory_space<vmem>> -> memref<4x4x8x128xf32, #tpu.memory_space<vmem>>
    %dma_wait3A_129 = arith.constant 0 : i32
    %dma_wait3A_130 = arith.constant 0 : i32
    %dma_wait3A_131 = arith.constant 0 : i32
    %dma_wait3A_132 = tpu.memref_slice %arg4[%dma_wait3A_123, %dma_wait3A_129, %mul3A_4, %dma_wait3A_130, %dma_wait3A_131] : memref<100x4x128x8x128xf32, #tpu.memory_space<hbm>> -> memref<1x4x4x8x128xf32, #tpu.memory_space<hbm>>
    %dma_wait3A_133 = tpu.memref_squeeze %dma_wait3A_132 : memref<1x4x4x8x128xf32, #tpu.memory_space<hbm>> -> memref<4x4x8x128xf32, #tpu.memory_space<hbm>>
    %dma_wait3A_134 = arith.constant 0 : i32
    %dma_wait3A_135 = arith.constant 0 : i32
    %dma_wait3A_136 = arith.constant 0 : i32
    %dma_wait3A_137 = tpu.memref_slice %arg4[%dma_wait3A_123, %dma_wait3A_134, %mul3A_4, %dma_wait3A_135, %dma_wait3A_136] : memref<100x4x128x8x128xf32, #tpu.memory_space<hbm>> -> memref<1x4x4x8x128xf32, #tpu.memory_space<hbm>>
    %dma_wait3A_138 = tpu.memref_squeeze %dma_wait3A_137 : memref<1x4x4x8x128xf32, #tpu.memory_space<hbm>> -> memref<4x4x8x128xf32, #tpu.memory_space<hbm>>
    %dma_wait3A_139 = arith.constant 0 : i32
    %dma_wait3A_140 = arith.constant 0 : i32
    %dma_wait3A_141 = arith.constant 0 : i32
    %dma_wait3A_142 = arith.constant 0 : i32
    %dma_wait3A_143 = tpu.memref_slice %arg9[%dma_wait3A_139, %dma_wait3A_140, %dma_wait3A_141, %dma_wait3A_142] : memref<4x4x8x132xf32, #tpu.memory_space<vmem>> -> memref<4x4x8x128xf32, #tpu.memory_space<vmem>>
    tpu.wait_dma2 semaphore(%arg13 : memref<!tpu.dma_semaphore, #tpu.memory_space<semaphore_mem>>) src(%dma_wait3A_143 : memref<4x4x8x128xf32, #tpu.memory_space<vmem>>) dst(%dma_wait3A_138 : memref<4x4x8x128xf32, #tpu.memory_space<hbm>>)
    return
  }
}

</mosaic_0001>

<sc_bundles>
// kernel: kernel.3.cloned.1.call-start
scs
__scs_entry_jumppad:
0x0: {  	(pc) =	sbr.rel $0x88, $3  }
0x1: {  	(tag) =	ssettag $0x0;
	lr =	simm.s32 $0x1  }
0x2: {  	[smem:$0x3F9F] =	sst lr;
	_ =	strace $0xD0000000  }
0x3: {  	_ = 	snop  }
0x4: {  	_ = 	snop  }
0x5: {  	_ = 	snop  }
0x6: {  	_ = 	snop  }
0x7: {  	_ = 	snop  }
__scs_overlays_trampoline_lowered:
0x8: {  	[smem:$0x3FAE] =	sst s0  }
0x9: {  	[smem:$0x3FAF] =	sst s1  }
0xa: {  	[smem:$0x3FB0] =	sst s2  }
0xb: {  	[smem:$0x3FB1] =	sst s3  }
0xc: {  	[smem:$0x3FB2] =	sst s4  }
0xd: {  	[smem:$0x3FB3] =	sst s5  }
0xe: {  	[smem:$0x3FB4] =	sst s6  }
0xf: {  	[smem:$0x3FB5] =	sst s7  }
0x10: {  	[smem:$0x3FB6] =	sst s8  }
0x11: {  	[smem:$0x3FB7] =	sst s9;
	s0 =	simm.s32 @!p0 $0x0  }
0x12: {  	s1 =	sld [smem:$0x3F9D];
	s0 =	simm.s32 @p0 $0x1  }
0x13: {  	[smem:$0x3FB8] =	sst s0;
	s0 =	simm.s32 @!p1 $0x0  }
0x14: {  	s2 =	sld [smem:$0x3F9C];
	s0 =	simm.s32 @p1 $0x1  }
0x15: {  	[smem:$0x3FB9] =	sst s0;
	s0 =	simm.s32 @!p2 $0x0  }
0x16: {  	s3 =	sld [smem:$0x3FDB];
	s0 =	simm.s32 @p2 $0x1  }
0x17: {  	s4 =	simm.s32 $0x1BF5;
	[smem:$0x3FBB] =	sst s0  }
0x18: {  	s0 =	sld [smem:$0x3F9E];
	_ =	swait.ge [sflag:s4], $0x0  }
0x19: {  	s7 =	sld [smem:$0x3F9F]  }
0x1a: {  	s8 =	sadd.s32 $0xFFFFE003, lr  }
0x1b: {  	s9 =	sadd.s32 $0xFFFFFEF7, lr;
	s5 =	simm.s32 $0xFFFFFFFF;
	p2 =	slt.u32 s8, $0xFFFFF086  }
0x1c: {  	p1 =	slt.u32 s9, $0xF7A;
	s5 =	simm.s32 @!p2 $0x0  }
0x1d: {  	s5 =	simm.s32 @p1 $0x1;
	p0 =	seq.s32 s7, s2  }
0x1e: {  	s7 =	smul.u32 @!p0 $0xF7A, s2;
	p2 =	seq.s32 @!p0 s5, $0x0  }
0x1f: {  	s9 =	smul.u32 $0xF7A, s1;
	s8 =	simm.s32 @!p0 $0x1BF5;
	p2 =	por !p2, p0  }
0x20: {  	[sflag:s8] =	ssyncset.s32 @!p0 $0xFFFFF086;
	s6 =	sadd.s32 @!p0 s3, s7;
	s7 =	simm.s32 @!p0 $0x108  }
0x21: {  	s3 =	sadd.s32 s3, s9;
	s6 =	sadd.s32 @!p0 $0x88, s6;
	s7 =	simm.s32 @p2 $0x1082  }
0x22: {  	[simem:s7], [sflag:s8] =	dma.local @!p0 [hbm:s6], $0xF7A  }
0x23: {  	s9 =	sor.u32 $0xD0000000, s2;
	s6 =	simm.s32 $0x108;
	_ =	swait.ge @!p0 [sflag:s8], $0x0  }
0x24: {  	s3 =	sadd.s32 $0x88, s3;
	s6 =	simm.s32 @!p1 $0x1082;
	[sflag:s4] =	ssyncset.s32 $0xFFFFF086  }
0x25: {  	[simem:s6], [sflag:s4] =	dma.local [hbm:s3], $0xF7A  }
0x26: {  	[smem:$0x3F9F] =	sst s1;
	(tag) =	ssettag s2;
	_ =	strace s9  }
0x27: {  	s1 =	sld [smem:$0x3FAF]  }
0x28: {  	s2 =	sld [smem:$0x3FB0]  }
0x29: {  	s4 =	sld [smem:$0x3FB2]  }
0x2a: {  	p0 =	seq.s32 s5, $0x0;
	s5 =	sld [smem:$0x3FB3]  }
0x2b: {  	s6 =	sld [smem:$0x3FB4]  }
0x2c: {  	s7 =	sld [smem:$0x3FB5]  }
0x2d: {  	s3 =	simm.s32 $0x108;
	s8 =	sld [smem:$0x3FB6]  }
0x2e: {  	s3 =	simm.s32 @!p0 $0x1082;
	s9 =	sld [smem:$0x3FB7]  }
0x2f: {  	lr =	sadd.s32 s0, s3;
	s0 =	sld [smem:$0x3FAE]  }
0x30: {  	s3 =	sld [smem:$0x3FB1]  }
0x31: {  	[smem:$0x3FBA] =	sst s10  }
0x32: {  	s10 =	sld [smem:$0x3FB8];
	_ =	sdelay $0x3  }
0x33: {  	p0 =	seq.s32 s10, $0x1;
	s10 =	sld [smem:$0x3FBA];
	_ =	sdelay $0x3  }
0x34: {  	[smem:$0x3FBA] =	sst s10  }
0x35: {  	s10 =	sld [smem:$0x3FB9];
	_ =	sdelay $0x3  }
0x36: {  	p1 =	seq.s32 s10, $0x1;
	s10 =	sld [smem:$0x3FBA];
	_ =	sdelay $0x3  }
0x37: {  	[smem:$0x3FBA] =	sst s10  }
0x38: {  	s10 =	sld [smem:$0x3FBB]  }
0x39: {  	_ = 	snop;
	(pc) =	sbr.ind lr, $3  }
0x3a: {  	_ = 	snop  }
0x3b: {  	_ = 	snop  }
0x3c: {  	p2 =	seq.s32 s10, $0x1;
	s10 =	sld [smem:$0x3FBA]  }
0x3d: {  	_ =	shalt  }
0x3e: {  	_ =	shalt  }
0x3f: {  	_ =	shalt  }
0x40: {  	_ =	shalt  }
0x41: {  	_ =	shalt  }
0x42: {  	_ =	shalt  }
0x43: {  	_ =	shalt  }
0x44: {  	_ =	shalt  }
0x45: {  	_ =	shalt  }
0x46: {  	_ =	shalt  }
0x47: {  	_ =	shalt  }
0x48: {  	_ =	shalt  }
0x49: {  	_ =	shalt  }
0x4a: {  	_ =	shalt  }
0x4b: {  	_ =	shalt  }
0x4c: {  	_ =	shalt  }
0x4d: {  	_ =	shalt  }
0x4e: {  	_ =	shalt  }
0x4f: {  	_ =	shalt  }
0x50: {  	_ =	shalt  }
0x51: {  	_ =	shalt  }
0x52: {  	_ =	shalt  }
0x53: {  	_ =	shalt  }
0x54: {  	_ =	shalt  }
0x55: {  	_ =	shalt  }
0x56: {  	_ =	shalt  }
0x57: {  	_ =	shalt  }
0x58: {  	_ =	shalt  }
0x59: {  	_ =	shalt  }
0x5a: {  	_ =	shalt  }
0x5b: {  	_ =	shalt  }
0x5c: {  	_ =	shalt  }
0x5d: {  	_ =	shalt  }
0x5e: {  	_ =	shalt  }
0x5f: {  	_ =	shalt  }
0x60: {  	_ =	shalt  }
0x61: {  	_ =	shalt  }
0x62: {  	_ =	shalt  }
0x63: {  	_ =	shalt  }
0x64: {  	_ =	shalt  }
0x65: {  	_ =	shalt  }
0x66: {  	_ =	shalt  }
0x67: {  	_ =	shalt  }
0x68: {  	_ =	shalt  }
0x69: {  	_ =	shalt  }
0x6a: {  	_ =	shalt  }
0x6b: {  	_ =	shalt  }
0x6c: {  	_ =	shalt  }
0x6d: {  	_ =	shalt  }
0x6e: {  	_ =	shalt  }
0x6f: {  	_ =	shalt  }
0x70: {  	_ =	shalt  }
0x71: {  	_ =	shalt  }
0x72: {  	_ =	shalt  }
0x73: {  	_ =	shalt  }
0x74: {  	_ =	shalt  }
0x75: {  	_ =	shalt  }
0x76: {  	_ =	shalt  }
0x77: {  	_ =	shalt  }
0x78: {  	_ =	shalt  }
0x79: {  	_ =	shalt  }
0x7a: {  	_ =	shalt  }
0x7b: {  	_ =	shalt  }
0x7c: {  	_ =	shalt  }
0x7d: {  	_ =	shalt  }
0x7e: {  	_ =	shalt  }
0x7f: {  	_ =	shalt  }
0x80: {  	_ =	shalt  }
0x81: {  	_ =	shalt  }
0x82: {  	_ =	shalt  }
0x83: {  	_ =	shalt  }
0x84: {  	_ =	shalt  }
0x85: {  	_ =	shalt  }
0x86: {  	_ =	shalt  }
0x87: {  	_ =	shalt  }
.Lfunc_end0:
.L_simem_size_0:
called_computation_lowered:
.L_overlay_start_0:
0x88: {  	s2 =	sld [smem:$0x3FD9]  }
0x89: {  	s3 =	sld [smem:$0x3FFE];
	_ =	sdelay $0x1  }
0x8a: {  	s1 =	srdreg.scid  }
0x8b: {  	s0 =	sand.u32 $0x1, s1  }
0x8c: {  	s17 =	sshll.u32 s0, $0xA;
	s2 =	sadd.s32 s3, s2  }
0x8d: {  	s2 =	sadd.s32 s2, s17  }
0x8e: {  	[smem:$0x3FC6] =	sst s2  }
0x8f: {  	_ = 	snop  }
0x90: {  	s2 =	sld [smem:$0x3FD0];
	(tm) =	ssettm $0x1  }
0x91: {  	s18 =	sld [smem:$0x3FFB];
	_ =	sdelay $0x3  }
0x92: {  	_ =	strace s18  }
0x93: {  	s3 =	sld [smem:$0x3FFC];
	_ =	sdelay $0x3  }
0x94: {  	_ =	strace s3  }
0x95: {  	s3 =	sld [smem:$0x3FFD];
	_ =	sdelay $0x3  }
0x96: {  	_ =	strace s3  }
0x97: {  	_ =	strace $0x8FFFFFFF  }
0x98: {  	s19 =	sld [smem:$0x3FDB];
	_ =	sdelay $0x1  }
0x99: {  	s4 =	simm.s32 $_scs_section_size  }
0x9a: {  	s5 =	simm.s32 $_size__tile_overlayer_lowered;
	s6 =	simm.s32 $_tile_overlayer_lowered  }
0x9b: {  	s22 =	simm.s32 $0x1BFF;
	s21 =	sshll.u32 s6, $0x1;
	s3 =	sadd.s32 s4, s19  }
0x9c: {  	s7 =	simm.s32 $0x0;
	s20 =	sshll.u32 s5, $0x1;
	s5 =	sadd.s32 s21, s3  }
0x9d: {  	[timem:s7], [sflag:s22] =	dma.local [hbm:s5], s20  }
0x9e: {  	_ =	swait.ge [sflag:s22], s20  }
0x9f: {  	s4 =	ssub.s32 $0x0, s20;
	[sflag:s22] =	ssyncset.done $0x0  }
0xa0: {  	[sflag:s22] =	ssyncadd.s32 s4;
	_ =	sdelay $0x1  }
0xa1: {  	s23 =	simm.s32 $0x1B8B  }
0xa2: {  	_ =	swait.ge [sflag:s23], $0x1  }
0xa3: {  	[sflag:s23] =	ssyncset.done $0x0  }
0xa4: {  	s25 =	simm.s32 $0x1B8E;
	s24 =	sld [smem:$0x3FFE];
	[sflag:s23] =	ssyncadd.s32 $0xFFFFFFFF  }
0xa5: {  	s26 =	simm.s32 $execute0_lowered;
	[smem:$0x3FD2] =	sst s25  }
0xa6: {  	s5 =	sshll.u32 s26, $0x1;
	_ =	strace $0x80000046;
	[dreg:$0x1] =	wrdreg $0xFFFFFFFF  }
0xa7: {  	s28 =	simm.s32 $_size_execute0_lowered;
	s3 =	sadd.s32 s3, s5;
	[dreg:$0x0] =	wrdreg $0x0  }
0xa8: {  	s5 =	sshll.u32 s28, $0x1;
	[dreg:$0x2] =	wrdreg s3  }
0xa9: {  	[dreg:$0x3] =	wrdreg s5  }
0xaa: {  	[dreg:$0x4] =	wrdreg $0xC0  }
0xab: {  	_ =	task [dreg:s7], $0x5FFFF  }
0xac: {  	[dreg:$0x1] =	wrdreg $0xFFFFFFFF  }
0xad: {  	[dreg:$0x0] =	wrdreg $0x60  }
0xae: {  	[dreg:$0x2] =	wrdreg s24  }
0xaf: {  	[dreg:$0x3] =	wrdreg s2  }
0xb0: {  	[dreg:$0x4] =	wrdreg $0x9  }
0xb1: {  	_ =	task.clear_ibuf [dreg:s7], $0x5FFFF;
	_ =	strace $0x90000046  }
0xb2: {  	s29 =	simm.s32 $0x9;
	_ =	strace $0x80000048  }
0xb3: {  	_ =	swait.ge [sflag:s29], $0x1  }
0xb4: {  	[sflag:s29] =	ssyncadd.s32 $0xFFFFFFFF  }
0xb5: {  	_ =	strace $0x90000048  }
0xb6: {  	_ =	sfence  }
0xb7: {  	s30 =	sld [smem:$0x0];
	_ =	sdelay $0x2  }
0xb8: {  	s31 =	sshll.u32 s1, $0xD;
	s1 =	sshrl.u32 s1, $0x2  }
0xb9: {  	s3 =	sand.u32 $0x4000, s31;
	s1 =	sadd.s32 s1, s30  }
0xba: {  	s0 =	sor.u32 s3, s0;
	s1 =	sshll.u32 s1, $0x11  }
0xbb: {  	s0 =	sor.u32 s1, s0  }
0xbc: {  	s0 =	sadd.s32 $0x8F2B, s0  }
0xbd: {  	[sflag:s0] =	ssyncadd.remote.s32 $0x1  }
0xbe: {  	_ =	sfence.sel $0xFFFF  }
0xbf: {  	[dreg:$0x0] =	wrdreg $0xFFFFFFFF;
	(pc) =	sbr.abs _section_cstart, $3  }
0xc0: {  	[dreg:$0x1] =	wrdreg $0xFFFFFFFF  }
0xc1: {  	_ =	task.clear_ibuf [dreg:s7], $0x2FFFF;
	_ =	strace $0x9FFFFFFF  }
0xc2: {  	(tm) =	ssettm $0x7FFFFFFF  }
0xc3: {  	_ =	shalt  }
tec
execute0_lowered:
.L_overlay_start_1:
0x0: {  	(tag) =	ssettag $0x1  }
0x1: {  	v0 =	vimm.s32 $0x14B8  }
0x2: {  	vm0 =	vcmask $0x300;
	vm1 =	vcmask $0x704;
	v1 =	vimm.s32 $0x36B8  }
0x3: {  	vm2 =	vcmask $0xB08;
	v0 =	vsel vm0, $0x0, v0;
	v1 =	vsel vm0, $0x2200, v1  }
0x4: {  	vm3 =	vcmask $0xF0C;
	v0 =	vsel vm1, $0x88, v0;
	v1 =	vsel vm1, $0x2288, v1  }
0x5: {  	vm15 =	vcmask $0x1310;
	v0 =	vsel vm2, $0x110, v0;
	v1 =	vsel vm2, $0x2310, v1  }
0x6: {  	s4 =	rddreg [dreg:$0x0];
	vm6 =	vcmask $0x1714;
	s1 =	srdreg.scid;
	v0 =	vsel vm3, $0x198, v0;
	v1 =	vsel vm3, $0x2398, v1  }
0x7: {  	s0 =	stileid.u32;
	vm7 =	vcmask $0x1B18;
	s2 =	rddreg [dreg:$0x1];
	v0 =	vsel vm15, $0x220, v0;
	v1 =	vsel vm15, $0x2420, v1  }
0x8: {  	vm8 =	vcmask $0x1F1C;
	s3 =	simm.s32 $0x0;
	s9 =	simm.s32 $0x200;
	s10 =	simm.s32 $0x4000;
	v0 =	vsel vm6, $0x2A8, v0;
	v1 =	vsel vm6, $0x24A8, v1  }
0x9: {  	vm9 =	vcmask $0x2320;
	s11 =	simm.s32 $0x5;
	s12 =	simm.s32 $0xC800;
	s13 =	simm.s32 $0x10800;
	v0 =	vsel vm7, $0x330, v0;
	v1 =	vsel vm7, $0x2530, v1  }
0xa: {  	vm10 =	vcmask $0x2724;
	s14 =	simm.s32 $0x1;
	s15 =	simm.s32 $0x14800;
	s16 =	simm.s32 $0x2;
	v0 =	vsel vm8, $0x3B8, v0;
	v1 =	vsel vm8, $0x25B8, v1  }
0xb: {  	vm11 =	vcmask $0x2B28;
	s17 =	simm.s32 $0x4;
	s18 =	simm.s32 $0x18C00;
	s19 =	simm.s32 $0x3;
	v0 =	vsel vm9, $0x1100, v0;
	v1 =	vsel vm9, $0x3300, v1  }
0xc: {  	vm12 =	vcmask $0x2F2C;
	s20 =	simm.s32 $0x0;
	s5 =	sand.u32 $0x1, s1;
	s1 =	rddreg [dreg:$0x2];
	v0 =	vsel vm10, $0x1188, v0;
	v1 =	vsel vm10, $0x3388, v1  }
.Ltmp0:
0xd: {  	vm13 =	vcmask $0x3330;
	s6 =	sshll.u32 s0, $0x1;
	[smem:$0x7FF] =	sst s3;
	v0 =	vsel vm11, $0x1210, v0;
	v1 =	vsel vm11, $0x3410, v1;
	(pc) =	sbr.rel .LBB2_1-.Ltmp0, $4  }
0xe: {  	vm14 =	vcmask $0x3734;
	s6 =	sor.u32 s5, s6;
	s5 =	ssub.s32 $0x2, s5;
	_ =	strace $0x80000047;
	v0 =	vsel vm12, $0x1298, v0;
	v1 =	vsel vm12, $0x3498, v1  }
0xf: {  	v2 =	vimm.s32 $0x0;
	s7 =	sshll.u32 s6, $0x6;
	s8 =	sshrl.u32 s5, $0x1;
	s6 =	sshll.u32 s6, $0x9;
	v0 =	vsel vm13, $0x1320, v0;
	v1 =	vsel vm13, $0x3520, v1  }
0x10: {  	s7 =	sadd.s32 s7, s4;
	s4 =	sadd.s32 $0xF42A00, s4;
	s8 =	ssub.s32 s5, s8;
	vm15 =	vcmask $0x3B38;
	v0 =	vsel vm14, $0x13A8, v0;
	v3 =	vsel vm14, $0x35A8, v1  }
0x11: {  	s5 =	sadd.s32 $0x600, s7;
	s7 =	sadd.s32 $0x10000, s2;
	s8 =	smax.u32 s8, $0x1;
	v1 =	vsel vm0, $0x3, v2;
	v0 =	vsel vm15, $0x1430, v0;
	v2 =	vsel vm15, $0x3630, v3  }
.LBB2_28:
0x12: {  	s20 =	sadd.s32 $0x1, s20  }
0x13: {  	_ =	swait.ge [sflag:s19], $0x4000;
	p0 =	sne.s32 s20, s8  }
.Ltmp1:
0x14: {  	[sflag:s19] =	ssyncset.done $0x0;
	(pc) =	sbr.rel @!p0 .LBB2_29-.Ltmp1, $4  }
0x15: {  	[sflag:s19] =	ssyncadd.s32 $0xFFFFC000  }
0x16: {  	_ =	swait.ge [sflag:s17], $0x4000  }
0x17: {  	[sflag:s17] =	ssyncset.done $0x0  }
0x18: {  	[sflag:s17] =	ssyncadd.s32 $0xFFFFC000  }
.LBB2_1:
0x19: {  	[tilespmem:s3], [sflag:$0x5] =	stream.strided.gather [hbm4b:s5+s9], $0xC800, s10, s9, $0x38;
	[tilespmem:$0x1D000] =	vst v63  }
0x1a: {  	_ =	swait.ge [sflag:s11], $0xC800  }
0x1b: {  	[sflag:s11] =	ssyncset.done $0x0  }
0x1c: {  	[sflag:s11] =	ssyncadd.s32 $0xFFFF3800  }
0x1d: {  	[tilespmem:s12], [sflag:$0x1] =	stream.indirect.gather [hbm4b:s4+s9], $0x20, s3, s9, $0xb8;
	[tilespmem:$0x1D000] =	vst v63  }
0x1e: {  	s21 =	simm.s32 $0x0  }
0x1f: {  	[tilespmem:s13], [sflag:$0x2] =	stream.indirect.gather [hbm4b:s4+s9], $0x20, s9, s9, $0xb8;
	[tilespmem:$0x1D000] =	vst v63  }
.LBB2_2:
0x20: {  	s22 =	simm.s32 $0x0;
	s23 =	simm.s32 $0x0  }
0x21: {  	_ =	swait.ge [sflag:s14], $0x4000;
	s22 =	sand.u32 $0x78, s22;
	v3 =	vmov s23  }
0x22: {  	p0 =	seq.s32 s21, $0x0;
	[sflag:s14] =	ssyncset.done $0x0;
	v4 =	vmov s22;
	v3 =	vmul.u32 $0x440, v3  }
0x23: {  	[sflag:s14] =	ssyncadd.s32 $0xFFFFC000;
	s22 =	simm.s32 @!p0 $0x3;
	v4 =	vshrl.u32 v4, $0x3  }
0x24: {  	_ =	swait.ge @!p0 [sflag:s22], $0x4000;
	v3 =	vbroadcast v3, $0x0;
	v4 =	vshll.u32 v4, v1  }
0x25: {  	[sflag:s22] =	ssyncset.done @!p0 $0x0;
	v4 =	vbroadcast v4, $0x0  }
0x26: {  	s23 =	simm.s32 $0xC880;
	[sflag:s22] =	ssyncadd.s32 @!p0 $0xFFFFC000;
	v5 =	vadd.s32 v0, v3  }
0x27: {  	v6 =	vld [tilespmem:s23+$0xFFFFFF80];
	v7 =	vadd.s32 v5, v4;
	_ =	sdelay $0x3  }
0x28: {  	s31 =	simm.s32 $0x1  }
0x29: {  	s22 =	sand.u32 $0x78, s31;
	v3 =	vadd.s32 v2, v3;
	[tilespmem:v7+s15+$0x0] =	vst.idx.msk $0xffff, v6  }
0x2a: {  	v57 =	vmov s22;
	v4 =	vadd.s32 v3, v4;
	v6 =	vld [tilespmem:s23+$0xFFFFFF90]  }
0x2b: {  	v7 =	vshrl.u32 v57, $0x3  }
0x2c: {  	v7 =	vshll.u32 v7, v1  }
0x2d: {  	v7 =	vbroadcast v7, $0x0;
	_ =	sdelay $0x1  }
0x2e: {  	[tilespmem:v4+s15+$0x0] =	vst.idx.msk $0xffff, v6;
	v4 =	vadd.s32 v5, v7  }
0x2f: {  	v6 =	vld [tilespmem:s23+$0xFFFFFFA0];
	v4 =	vor.u32 $0x1, v4;
	_ =	sdelay $0x3  }
0x30: {  	s24 =	simm.s32 $0x2  }
0x31: {  	s22 =	sand.u32 $0x78, s24;
	[tilespmem:v4+s15+$0x0] =	vst.idx.msk $0xffff, v6;
	v4 =	vadd.s32 v3, v7  }
0x32: {  	v58 =	vmov s22;
	v6 =	vld [tilespmem:s23+$0xFFFFFFB0];
	v4 =	vor.u32 $0x1, v4  }
0x33: {  	v7 =	vshrl.u32 v58, $0x3  }
0x34: {  	v7 =	vshll.u32 v7, v1  }
0x35: {  	v7 =	vbroadcast v7, $0x0;
	_ =	sdelay $0x1  }
0x36: {  	[tilespmem:v4+s15+$0x0] =	vst.idx.msk $0xffff, v6;
	v4 =	vadd.s32 v5, v7  }
0x37: {  	v6 =	vld [tilespmem:s23+$0xFFFFFFC0];
	v4 =	vor.u32 $0x2, v4;
	_ =	sdelay $0x3  }
0x38: {  	s25 =	simm.s32 $0x3  }
0x39: {  	s22 =	sand.u32 $0x78, s25;
	[tilespmem:v4+s15+$0x0] =	vst.idx.msk $0xffff, v6;
	v4 =	vadd.s32 v3, v7  }
0x3a: {  	v59 =	vmov s22;
	v6 =	vld [tilespmem:s23+$0xFFFFFFD0];
	v4 =	vor.u32 $0x2, v4  }
0x3b: {  	v7 =	vshrl.u32 v59, $0x3  }
0x3c: {  	v7 =	vshll.u32 v7, v1  }
0x3d: {  	v7 =	vbroadcast v7, $0x0;
	_ =	sdelay $0x1  }
0x3e: {  	[tilespmem:v4+s15+$0x0] =	vst.idx.msk $0xffff, v6;
	v4 =	vadd.s32 v5, v7  }
0x3f: {  	v6 =	vld [tilespmem:s23+$0xFFFFFFE0];
	v4 =	vor.u32 $0x3, v4;
	_ =	sdelay $0x3  }
0x40: {  	s26 =	simm.s32 $0x4  }
0x41: {  	s22 =	sand.u32 $0x78, s26;
	[tilespmem:v4+s15+$0x0] =	vst.idx.msk $0xffff, v6;
	v4 =	vadd.s32 v3, v7  }
0x42: {  	v60 =	vmov s22;
	v6 =	vld [tilespmem:s23+$0xFFFFFFF0];
	v4 =	vor.u32 $0x3, v4  }
0x43: {  	v7 =	vshrl.u32 v60, $0x3  }
0x44: {  	v7 =	vshll.u32 v7, v1  }
0x45: {  	v7 =	vbroadcast v7, $0x0;
	_ =	sdelay $0x1  }
0x46: {  	[tilespmem:v4+s15+$0x0] =	vst.idx.msk $0xffff, v6;
	v4 =	vadd.s32 v5, v7  }
0x47: {  	v6 =	vld [tilespmem:s23+$0x0];
	v4 =	vor.u32 $0x4, v4;
	_ =	sdelay $0x3  }
0x48: {  	s29 =	simm.s32 $0x5  }
0x49: {  	s22 =	sand.u32 $0x78, s29;
	[tilespmem:v4+s15+$0x0] =	vst.idx.msk $0xffff, v6;
	v4 =	vadd.s32 v3, v7  }
0x4a: {  	v61 =	vmov s22;
	v6 =	vld [tilespmem:s23+$0x10];
	v4 =	vor.u32 $0x4, v4  }
0x4b: {  	v7 =	vshrl.u32 v61, $0x3  }
0x4c: {  	v7 =	vshll.u32 v7, v1  }
0x4d: {  	v7 =	vbroadcast v7, $0x0;
	_ =	sdelay $0x1  }
0x4e: {  	[tilespmem:v4+s15+$0x0] =	vst.idx.msk $0xffff, v6;
	v4 =	vadd.s32 v5, v7  }
0x4f: {  	v6 =	vld [tilespmem:s23+$0x20];
	v4 =	vor.u32 $0x5, v4;
	_ =	sdelay $0x3  }
0x50: {  	s30 =	simm.s32 $0x6  }
0x51: {  	s22 =	sand.u32 $0x78, s30;
	[tilespmem:v4+s15+$0x0] =	vst.idx.msk $0xffff, v6;
	v4 =	vadd.s32 v3, v7  }
0x52: {  	v62 =	vmov s22;
	v6 =	vld [tilespmem:s23+$0x30];
	v4 =	vor.u32 $0x5, v4  }
0x53: {  	v7 =	vshrl.u32 v62, $0x3  }
0x54: {  	v7 =	vshll.u32 v7, v1  }
0x55: {  	v7 =	vbroadcast v7, $0x0;
	_ =	sdelay $0x1  }
0x56: {  	[tilespmem:v4+s15+$0x0] =	vst.idx.msk $0xffff, v6;
	v4 =	vadd.s32 v5, v7  }
0x57: {  	v6 =	vld [tilespmem:s23+$0x40];
	v4 =	vor.u32 $0x6, v4;
	_ =	sdelay $0x3  }
0x58: {  	s31 =	simm.s32 $0x7  }
0x59: {  	s22 =	sand.u32 $0x78, s31;
	[tilespmem:v4+s15+$0x0] =	vst.idx.msk $0xffff, v6;
	v4 =	vadd.s32 v3, v7  }
0x5a: {  	v63 =	vmov s22;
	v6 =	vld [tilespmem:s23+$0x50];
	v4 =	vor.u32 $0x6, v4  }
0x5b: {  	v7 =	vshrl.u32 v63, $0x3  }
0x5c: {  	v7 =	vshll.u32 v7, v1  }
0x5d: {  	v7 =	vbroadcast v7, $0x0;
	_ =	sdelay $0x1  }
0x5e: {  	[tilespmem:v4+s15+$0x0] =	vst.idx.msk $0xffff, v6;
	v4 =	vadd.s32 v5, v7  }
0x5f: {  	v5 =	vld [tilespmem:s23+$0x60];
	v4 =	vor.u32 $0x7, v4;
	_ =	sdelay $0x3  }
0x60: {  	s28 =	simm.s32 $0x0;
	s24 =	simm.s32 $0x8  }
0x61: {  	s25 =	simm.s32 $0x1;
	s26 =	simm.s32 $0x10;
	s22 =	sshll.u32 s21, $0xC;
	v3 =	vadd.s32 v3, v7;
	[tilespmem:v4+s15+$0x0] =	vst.idx.msk $0xffff, v5  }
.LBB2_3:
0x62: {  	p1 =	sne.s32 s26, $0x1F8;
	s29 =	sand.u32 $0x78, s24;
	v4 =	vmov s28;
	v5 =	vld [tilespmem:s23+$0x70];
	v6 =	vor.u32 $0x7, v3  }
0x63: {  	v3 =	vmov s29;
	v4 =	vmul.u32 $0x440, v4  }
0x64: {  	v3 =	vshrl.u32 v3, $0x3  }
0x65: {  	v4 =	vbroadcast v4, $0x0;
	v3 =	vshll.u32 v3, v1  }
0x66: {  	v7 =	vbroadcast v3, $0x0  }
0x67: {  	s23 =	sadd.s32 $0x100, s23;
	v3 =	vadd.s32 v0, v4;
	[tilespmem:v6+s15+$0x0] =	vst.idx.msk $0xffff, v5  }
0x68: {  	v5 =	vld [tilespmem:s23+$0xFFFFFF80];
	v6 =	vadd.s32 v3, v7;
	_ =	sdelay $0x3  }
0x69: {  	s28 =	sadd.s32 $0x1, s24  }
0x6a: {  	s28 =	sand.u32 $0x78, s28;
	v4 =	vadd.s32 v2, v4;
	[tilespmem:v6+s15+$0x0] =	vst.idx.msk $0xffff, v5  }
0x6b: {  	v6 =	vadd.s32 v4, v7;
	v7 =	vmov s28;
	v5 =	vld [tilespmem:s23+$0xFFFFFF90]  }
0x6c: {  	v7 =	vshrl.u32 v7, $0x3  }
0x6d: {  	v7 =	vshll.u32 v7, v1  }
0x6e: {  	v7 =	vbroadcast v7, $0x0;
	_ =	sdelay $0x1  }
0x6f: {  	[tilespmem:v6+s15+$0x0] =	vst.idx.msk $0xffff, v5;
	v5 =	vadd.s32 v3, v7  }
0x70: {  	v6 =	vld [tilespmem:s23+$0xFFFFFFA0];
	v5 =	vor.u32 $0x1, v5;
	_ =	sdelay $0x3  }
0x71: {  	s28 =	sadd.s32 $0x2, s24  }
0x72: {  	s28 =	sand.u32 $0x78, s28;
	[tilespmem:v5+s15+$0x0] =	vst.idx.msk $0xffff, v6;
	v5 =	vadd.s32 v4, v7  }
0x73: {  	v7 =	vmov s28;
	v6 =	vld [tilespmem:s23+$0xFFFFFFB0];
	v5 =	vor.u32 $0x1, v5  }
0x74: {  	v7 =	vshrl.u32 v7, $0x3  }
0x75: {  	v7 =	vshll.u32 v7, v1  }
0x76: {  	v7 =	vbroadcast v7, $0x0;
	_ =	sdelay $0x1  }
0x77: {  	[tilespmem:v5+s15+$0x0] =	vst.idx.msk $0xffff, v6;
	v5 =	vadd.s32 v3, v7  }
0x78: {  	v6 =	vld [tilespmem:s23+$0xFFFFFFC0];
	v5 =	vor.u32 $0x2, v5;
	_ =	sdelay $0x3  }
0x79: {  	s28 =	sadd.s32 $0x3, s24  }
0x7a: {  	s28 =	sand.u32 $0x78, s28;
	[tilespmem:v5+s15+$0x0] =	vst.idx.msk $0xffff, v6;
	v5 =	vadd.s32 v4, v7  }
0x7b: {  	v7 =	vmov s28;
	v6 =	vld [tilespmem:s23+$0xFFFFFFD0];
	v5 =	vor.u32 $0x2, v5  }
0x7c: {  	v7 =	vshrl.u32 v7, $0x3  }
0x7d: {  	v7 =	vshll.u32 v7, v1  }
0x7e: {  	v7 =	vbroadcast v7, $0x0;
	_ =	sdelay $0x1  }
0x7f: {  	[tilespmem:v5+s15+$0x0] =	vst.idx.msk $0xffff, v6;
	v5 =	vadd.s32 v3, v7  }
0x80: {  	v6 =	vld [tilespmem:s23+$0xFFFFFFE0];
	v5 =	vor.u32 $0x3, v5;
	_ =	sdelay $0x3  }
0x81: {  	s28 =	sadd.s32 $0x4, s24  }
0x82: {  	s28 =	sand.u32 $0x78, s28;
	[tilespmem:v5+s15+$0x0] =	vst.idx.msk $0xffff, v6;
	v5 =	vadd.s32 v4, v7  }
0x83: {  	v7 =	vmov s28;
	v6 =	vld [tilespmem:s23+$0xFFFFFFF0];
	v5 =	vor.u32 $0x3, v5  }
0x84: {  	v7 =	vshrl.u32 v7, $0x3  }
0x85: {  	v7 =	vshll.u32 v7, v1  }
0x86: {  	v7 =	vbroadcast v7, $0x0;
	_ =	sdelay $0x1  }
0x87: {  	[tilespmem:v5+s15+$0x0] =	vst.idx.msk $0xffff, v6;
	v5 =	vadd.s32 v3, v7  }
0x88: {  	v6 =	vld [tilespmem:s23+$0x0];
	v5 =	vor.u32 $0x4, v5;
	_ =	sdelay $0x3  }
0x89: {  	s28 =	sadd.s32 $0x5, s24  }
0x8a: {  	s28 =	sand.u32 $0x78, s28;
	[tilespmem:v5+s15+$0x0] =	vst.idx.msk $0xffff, v6;
	v5 =	vadd.s32 v4, v7  }
0x8b: {  	v7 =	vmov s28;
	v6 =	vld [tilespmem:s23+$0x10];
	v5 =	vor.u32 $0x4, v5  }
0x8c: {  	v7 =	vshrl.u32 v7, $0x3  }
0x8d: {  	v7 =	vshll.u32 v7, v1  }
0x8e: {  	v7 =	vbroadcast v7, $0x0;
	_ =	sdelay $0x1  }
0x8f: {  	[tilespmem:v5+s15+$0x0] =	vst.idx.msk $0xffff, v6;
	v5 =	vadd.s32 v3, v7  }
0x90: {  	v6 =	vld [tilespmem:s23+$0x20];
	v5 =	vor.u32 $0x5, v5;
	_ =	sdelay $0x3  }
0x91: {  	s28 =	sadd.s32 $0x6, s24  }
0x92: {  	s28 =	sand.u32 $0x78, s28;
	[tilespmem:v5+s15+$0x0] =	vst.idx.msk $0xffff, v6;
	v5 =	vadd.s32 v4, v7  }
0x93: {  	v7 =	vmov s28;
	v6 =	vld [tilespmem:s23+$0x30];
	v5 =	vor.u32 $0x5, v5  }
0x94: {  	v7 =	vshrl.u32 v7, $0x3  }
0x95: {  	v7 =	vshll.u32 v7, v1  }
0x96: {  	v7 =	vbroadcast v7, $0x0;
	_ =	sdelay $0x1  }
0x97: {  	[tilespmem:v5+s15+$0x0] =	vst.idx.msk $0xffff, v6;
	v5 =	vadd.s32 v3, v7  }
0x98: {  	v6 =	vld [tilespmem:s23+$0x40];
	v5 =	vor.u32 $0x6, v5;
	_ =	sdelay $0x3  }
0x99: {  	s28 =	sadd.s32 $0x7, s24;
	s24 =	smov.u32 s26  }
0x9a: {  	s28 =	sand.u32 $0x78, s28;
	[tilespmem:v5+s15+$0x0] =	vst.idx.msk $0xffff, v6;
	v5 =	vadd.s32 v4, v7  }
0x9b: {  	v7 =	vmov s28;
	v6 =	vld [tilespmem:s23+$0x50];
	v5 =	vor.u32 $0x6, v5  }
0x9c: {  	v7 =	vshrl.u32 v7, $0x3  }
0x9d: {  	v7 =	vshll.u32 v7, v1  }
0x9e: {  	v7 =	vbroadcast v7, $0x0;
	_ =	sdelay $0x1  }
0x9f: {  	v3 =	vadd.s32 v3, v7;
	[tilespmem:v5+s15+$0x0] =	vst.idx.msk $0xffff, v6  }
0xa0: {  	v3 =	vor.u32 $0x7, v3;
	v5 =	vld [tilespmem:s23+$0x60]  }
.Ltmp2:
0xa1: {  	(pc) =	sbr.rel @p1 .LBB2_3-.Ltmp2, $3  }
0xa2: {  	_ =	sdelay $0x1  }
0xa3: {  	s25 =	sadd.s32 $0x1, s25  }
0xa4: {  	s26 =	sadd.s32 $0x8, s26;
	s28 =	sshrl.u32 s25, $0x4;
	[tilespmem:v3+s15+$0x0] =	vst.idx.msk $0xffff, v5;
	v3 =	vadd.s32 v4, v7  }
0xa5: {  	s25 =	sand.u32 $0x78, s24;
	v4 =	vmov s28;
	v5 =	vld [tilespmem:s23+$0x70];
	v3 =	vor.u32 $0x7, v3  }
0xa6: {  	v6 =	vmov s25;
	v4 =	vmul.u32 $0x440, v4  }
0xa7: {  	v6 =	vshrl.u32 v6, $0x3  }
0xa8: {  	v4 =	vbroadcast v4, $0x0;
	v6 =	vshll.u32 v6, v1  }
0xa9: {  	v6 =	vbroadcast v6, $0x0  }
0xaa: {  	s23 =	sadd.s32 $0x100, s23;
	v7 =	vadd.s32 v0, v4;
	[tilespmem:v3+s15+$0x0] =	vst.idx.msk $0xffff, v5  }
0xab: {  	v3 =	vld [tilespmem:s23+$0xFFFFFF80];
	v41 =	vadd.s32 v7, v6;
	_ =	sdelay $0x3  }
0xac: {  	s30 =	sadd.s32 $0x1, s24  }
0xad: {  	s25 =	sand.u32 $0x78, s30;
	[tilespmem:v41+s15+$0x0] =	vst.idx.msk $0xffff, v3;
	v3 =	vadd.s32 v2, v4  }
0xae: {  	v44 =	vmov s25;
	v42 =	vld [tilespmem:s23+$0xFFFFFF90];
	v43 =	vadd.s32 v3, v6  }
0xaf: {  	v6 =	vshrl.u32 v44, $0x3  }
0xb0: {  	v6 =	vshll.u32 v6, v1  }
0xb1: {  	v6 =	vbroadcast v6, $0x0;
	_ =	sdelay $0x1  }
0xb2: {  	v45 =	vadd.s32 v7, v6;
	[tilespmem:v43+s15+$0x0] =	vst.idx.msk $0xffff, v42  }
0xb3: {  	v4 =	vor.u32 $0x1, v45;
	v5 =	vld [tilespmem:s23+$0xFFFFFFA0];
	_ =	sdelay $0x3  }
0xb4: {  	s31 =	sadd.s32 $0x2, s24  }
0xb5: {  	s25 =	sand.u32 $0x78, s31;
	v46 =	vadd.s32 v3, v6;
	[tilespmem:v4+s15+$0x0] =	vst.idx.msk $0xffff, v5  }
0xb6: {  	v47 =	vmov s25;
	v4 =	vor.u32 $0x1, v46;
	v5 =	vld [tilespmem:s23+$0xFFFFFFB0]  }
0xb7: {  	v6 =	vshrl.u32 v47, $0x3  }
0xb8: {  	v6 =	vshll.u32 v6, v1  }
0xb9: {  	v6 =	vbroadcast v6, $0x0;
	_ =	sdelay $0x1  }
0xba: {  	v48 =	vadd.s32 v7, v6;
	[tilespmem:v4+s15+$0x0] =	vst.idx.msk $0xffff, v5  }
0xbb: {  	v4 =	vor.u32 $0x2, v48;
	v5 =	vld [tilespmem:s23+$0xFFFFFFC0];
	_ =	sdelay $0x3  }
0xbc: {  	s26 =	sadd.s32 $0x3, s24  }
0xbd: {  	s25 =	sand.u32 $0x78, s26;
	v49 =	vadd.s32 v3, v6;
	[tilespmem:v4+s15+$0x0] =	vst.idx.msk $0xffff, v5  }
0xbe: {  	v50 =	vmov s25;
	v4 =	vor.u32 $0x2, v49;
	v5 =	vld [tilespmem:s23+$0xFFFFFFD0]  }
0xbf: {  	v6 =	vshrl.u32 v50, $0x3  }
0xc0: {  	v6 =	vshll.u32 v6, v1  }
0xc1: {  	v6 =	vbroadcast v6, $0x0;
	_ =	sdelay $0x1  }
0xc2: {  	v51 =	vadd.s32 v7, v6;
	[tilespmem:v4+s15+$0x0] =	vst.idx.msk $0xffff, v5  }
0xc3: {  	v4 =	vor.u32 $0x3, v51;
	v5 =	vld [tilespmem:s23+$0xFFFFFFE0];
	_ =	sdelay $0x3  }
0xc4: {  	s30 =	sadd.s32 $0x4, s24  }
0xc5: {  	s25 =	sand.u32 $0x78, s30;
	v52 =	vadd.s32 v3, v6;
	[tilespmem:v4+s15+$0x0] =	vst.idx.msk $0xffff, v5  }
0xc6: {  	v53 =	vmov s25;
	v4 =	vor.u32 $0x3, v52;
	v5 =	vld [tilespmem:s23+$0xFFFFFFF0]  }
0xc7: {  	v6 =	vshrl.u32 v53, $0x3  }
0xc8: {  	v6 =	vshll.u32 v6, v1  }
0xc9: {  	v6 =	vbroadcast v6, $0x0;
	_ =	sdelay $0x1  }
0xca: {  	v54 =	vadd.s32 v7, v6;
	[tilespmem:v4+s15+$0x0] =	vst.idx.msk $0xffff, v5  }
0xcb: {  	v4 =	vor.u32 $0x4, v54;
	v5 =	vld [tilespmem:s23+$0x0];
	_ =	sdelay $0x3  }
0xcc: {  	s31 =	sadd.s32 $0x5, s24  }
0xcd: {  	s25 =	sand.u32 $0x78, s31;
	v55 =	vadd.s32 v3, v6;
	[tilespmem:v4+s15+$0x0] =	vst.idx.msk $0xffff, v5  }
0xce: {  	v56 =	vmov s25;
	v4 =	vor.u32 $0x4, v55;
	v5 =	vld [tilespmem:s23+$0x10]  }
0xcf: {  	v6 =	vshrl.u32 v56, $0x3  }
0xd0: {  	v6 =	vshll.u32 v6, v1  }
0xd1: {  	v6 =	vbroadcast v6, $0x0;
	_ =	sdelay $0x1  }
0xd2: {  	v57 =	vadd.s32 v7, v6;
	[tilespmem:v4+s15+$0x0] =	vst.idx.msk $0xffff, v5  }
0xd3: {  	v4 =	vor.u32 $0x5, v57;
	v5 =	vld [tilespmem:s23+$0x20];
	_ =	sdelay $0x3  }
0xd4: {  	s26 =	sadd.s32 $0x6, s24  }
0xd5: {  	s25 =	sand.u32 $0x78, s26;
	v58 =	vadd.s32 v3, v6;
	[tilespmem:v4+s15+$0x0] =	vst.idx.msk $0xffff, v5  }
0xd6: {  	v59 =	vmov s25;
	v4 =	vor.u32 $0x5, v58;
	v5 =	vld [tilespmem:s23+$0x30]  }
0xd7: {  	v6 =	vshrl.u32 v59, $0x3  }
0xd8: {  	v6 =	vshll.u32 v6, v1  }
0xd9: {  	v6 =	vbroadcast v6, $0x0;
	_ =	sdelay $0x1  }
0xda: {  	v60 =	vadd.s32 v7, v6;
	[tilespmem:v4+s15+$0x0] =	vst.idx.msk $0xffff, v5  }
0xdb: {  	v4 =	vor.u32 $0x6, v60;
	v5 =	vld [tilespmem:s23+$0x40];
	_ =	sdelay $0x3  }
0xdc: {  	s30 =	sadd.s32 $0x7, s24  }
0xdd: {  	s24 =	sand.u32 $0x78, s30;
	v61 =	vadd.s32 v3, v6;
	[tilespmem:v4+s15+$0x0] =	vst.idx.msk $0xffff, v5  }
0xde: {  	v62 =	vmov s24;
	v4 =	vor.u32 $0x6, v61;
	v5 =	vld [tilespmem:s23+$0x50]  }
0xdf: {  	v6 =	vshrl.u32 v62, $0x3  }
0xe0: {  	v6 =	vshll.u32 v6, v1  }
0xe1: {  	v6 =	vbroadcast v6, $0x0;
	_ =	sdelay $0x1  }
0xe2: {  	v63 =	vadd.s32 v7, v6;
	[tilespmem:v4+s15+$0x0] =	vst.idx.msk $0xffff, v5  }
0xe3: {  	v4 =	vor.u32 $0x7, v63;
	v5 =	vld [tilespmem:s23+$0x60];
	_ =	sdelay $0x4  }
0xe4: {  	v3 =	vadd.s32 v3, v6;
	[tilespmem:v4+s15+$0x0] =	vst.idx.msk $0xffff, v5  }
0xe5: {  	v3 =	vor.u32 $0x7, v3;
	v4 =	vld [tilespmem:s23+$0x70];
	_ =	sdelay $0x1  }
0xe6: {  	s31 =	sshll.u32 s21, $0x11  }
0xe7: {  	s23 =	sor.u32 s6, s31  }
0xe8: {  	s28 =	simm.s32 $0x14888;
	s24 =	sadd.s32 s2, s23  }
0xe9: {  	s26 =	simm.s32 $0x10;
	s25 =	simm.s32 $0x14800;
	s29 =	sadd.s32 $0x0, s24;
	[tilespmem:v3+s15+$0x0] =	vst.idx.msk $0xffff, v4  }
.LBB2_5:
0xea: {  	[hbm4b:s29+s3] =	stream.linear.scatter [tilespmem:s25], [sflag:$0x3], $0x80, $0x38;
	[tilespmem:$0x1D000] =	vst v63  }
0xeb: {  	s29 =	smov.u32 s26;
	s25 =	smov.u32 s28;
	p1 =	sne.s32 s26, $0x1F0  }
.Ltmp3:
0xec: {  	s26 =	sadd.s32 $0x10, s26;
	(pc) =	sbr.rel @p1 .LBB2_5-.Ltmp3, $2  }
0xed: {  	_ =	sdelay $0x2  }
0xee: {  	s28 =	sadd.s32 $0x88, s28;
	s29 =	sadd.s32 s29, s24  }
0xef: {  	[hbm4b:s29+s3] =	stream.linear.scatter [tilespmem:s25], [sflag:$0x3], $0x80, $0x38;
	[tilespmem:$0x1D000] =	vst v63  }
0xf0: {  	s25 =	sadd.s32 $0x4000, s24;
	s26 =	simm.s32 $0x15900  }
0xf1: {  	s28 =	simm.s32 $0x10;
	s29 =	simm.s32 $0x15988;
	s30 =	sadd.s32 $0x0, s25  }
.LBB2_7:
0xf2: {  	[hbm4b:s30+s3] =	stream.linear.scatter [tilespmem:s26], [sflag:$0x3], $0x80, $0x38;
	[tilespmem:$0x1D000] =	vst v63  }
0xf3: {  	s30 =	smov.u32 s28;
	s26 =	smov.u32 s29;
	p1 =	sne.s32 s28, $0x1F0  }
.Ltmp4:
0xf4: {  	s28 =	sadd.s32 $0x10, s28;
	(pc) =	sbr.rel @p1 .LBB2_7-.Ltmp4, $2  }
0xf5: {  	_ =	sdelay $0x2  }
0xf6: {  	s29 =	sadd.s32 $0x88, s29;
	s30 =	sadd.s32 s30, s25  }
0xf7: {  	[hbm4b:s30+s3] =	stream.linear.scatter [tilespmem:s26], [sflag:$0x3], $0x80, $0x38;
	[tilespmem:$0x1D000] =	vst v63  }
0xf8: {  	s25 =	sadd.s32 $0x8000, s24;
	s26 =	simm.s32 $0x16A00  }
0xf9: {  	s28 =	simm.s32 $0x10;
	s29 =	simm.s32 $0x16A88;
	s30 =	sadd.s32 $0x0, s25  }
.LBB2_9:
0xfa: {  	[hbm4b:s30+s3] =	stream.linear.scatter [tilespmem:s26], [sflag:$0x3], $0x80, $0x38;
	[tilespmem:$0x1D000] =	vst v63  }
0xfb: {  	s30 =	smov.u32 s28;
	s26 =	smov.u32 s29;
	p1 =	sne.s32 s28, $0x1F0  }
.Ltmp5:
0xfc: {  	s28 =	sadd.s32 $0x10, s28;
	(pc) =	sbr.rel @p1 .LBB2_9-.Ltmp5, $2  }
0xfd: {  	_ =	sdelay $0x2  }
0xfe: {  	s29 =	sadd.s32 $0x88, s29;
	s30 =	sadd.s32 s30, s25  }
0xff: {  	[hbm4b:s30+s3] =	stream.linear.scatter [tilespmem:s26], [sflag:$0x3], $0x80, $0x38;
	[tilespmem:$0x1D000] =	vst v63  }
0x100: {  	s24 =	sadd.s32 $0xC000, s24;
	s25 =	simm.s32 $0x17B00  }
0x101: {  	s26 =	simm.s32 $0x10;
	s28 =	simm.s32 $0x17B88;
	s29 =	sadd.s32 $0x0, s24  }
.LBB2_11:
0x102: {  	[hbm4b:s29+s3] =	stream.linear.scatter [tilespmem:s25], [sflag:$0x3], $0x80, $0x38;
	[tilespmem:$0x1D000] =	vst v63  }
0x103: {  	s29 =	smov.u32 s26;
	s25 =	smov.u32 s28;
	p1 =	sne.s32 s26, $0x1F0  }
.Ltmp6:
0x104: {  	s26 =	sadd.s32 $0x10, s26;
	(pc) =	sbr.rel @p1 .LBB2_11-.Ltmp6, $2  }
0x105: {  	_ =	sdelay $0x2  }
0x106: {  	s28 =	sadd.s32 $0x88, s28;
	s29 =	sadd.s32 s29, s24  }
0x107: {  	p1 =	sne.s32 s21, $0x31  }
.Ltmp7:
0x108: {  	_ = 	snop;
	(pc) =	sbr.rel @p1 .LBB2_14-.Ltmp7, $2  }
0x109: {  	_ =	sdelay $0x2  }
0x10a: {  	[hbm4b:s29+s3] =	stream.linear.scatter [tilespmem:s25], [sflag:$0x3], $0x80, $0x38;
	[tilespmem:$0x1D000] =	vst v63  }
.Ltmp8:
0x10b: {  	(pc) =	sbr.rel .LBB2_15-.Ltmp8, $4  }
0x10c: {  	_ = 	snop  }
0x10d: {  	_ =	swait.ge [sflag:s16], $0x4000  }
0x10e: {  	[sflag:s16] =	ssyncset.done $0x0  }
0x10f: {  	[sflag:s16] =	ssyncadd.s32 $0xFFFFC000  }
.LBB2_14:
0x110: {  	s24 =	sshrl.u32 s22, $0x2  }
.Ltmp9:
0x111: {  	s24 =	sadd.s32 $0x400, s24;
	(pc) =	sbr.rel @p0 .LBB2_16-.Ltmp9, $4  }
0x112: {  	[tilespmem:s12], [sflag:$0x1] =	stream.indirect.gather [hbm4b:s4+s9], $0x20, s24, s9, $0xb8;
	[tilespmem:$0x1D000] =	vst v63  }
0x113: {  	_ =	swait.ge [sflag:s16], $0x4000  }
0x114: {  	[sflag:s16] =	ssyncset.done $0x0  }
0x115: {  	[sflag:s16] =	ssyncadd.s32 $0xFFFFC000  }
.LBB2_15:
0x116: {  	_ =	swait.ge [sflag:s17], $0x4000  }
0x117: {  	[sflag:s17] =	ssyncset.done $0x0  }
0x118: {  	[sflag:s17] =	ssyncadd.s32 $0xFFFFC000  }
.LBB2_16:
0x119: {  	s24 =	simm.s32 $0x0;
	s25 =	simm.s32 $0x0  }
0x11a: {  	s24 =	sand.u32 $0x78, s24;
	v3 =	vmov s25  }
0x11b: {  	v4 =	vmov s24;
	v3 =	vmul.u32 $0x440, v3  }
0x11c: {  	v4 =	vshrl.u32 v4, $0x3  }
0x11d: {  	v3 =	vbroadcast v3, $0x0;
	v4 =	vshll.u32 v4, v1  }
0x11e: {  	v4 =	vbroadcast v4, $0x0  }
0x11f: {  	s24 =	simm.s32 $0x10880;
	v5 =	vadd.s32 v0, v3  }
0x120: {  	v6 =	vld [tilespmem:s24+$0xFFFFFF80];
	v7 =	vadd.s32 v5, v4;
	_ =	sdelay $0x3  }
0x121: {  	s31 =	simm.s32 $0x1  }
0x122: {  	s25 =	sand.u32 $0x78, s31;
	v3 =	vadd.s32 v2, v3;
	[tilespmem:v7+s18+$0x0] =	vst.idx.msk $0xffff, v6  }
0x123: {  	v57 =	vmov s25;
	v4 =	vadd.s32 v3, v4;
	v6 =	vld [tilespmem:s24+$0xFFFFFF90]  }
0x124: {  	v7 =	vshrl.u32 v57, $0x3  }
0x125: {  	v7 =	vshll.u32 v7, v1  }
0x126: {  	v7 =	vbroadcast v7, $0x0;
	_ =	sdelay $0x1  }
0x127: {  	[tilespmem:v4+s18+$0x0] =	vst.idx.msk $0xffff, v6;
	v4 =	vadd.s32 v5, v7  }
0x128: {  	v6 =	vld [tilespmem:s24+$0xFFFFFFA0];
	v4 =	vor.u32 $0x1, v4;
	_ =	sdelay $0x3  }
0x129: {  	s26 =	simm.s32 $0x2  }
0x12a: {  	s25 =	sand.u32 $0x78, s26;
	[tilespmem:v4+s18+$0x0] =	vst.idx.msk $0xffff, v6;
	v4 =	vadd.s32 v3, v7  }
0x12b: {  	v58 =	vmov s25;
	v6 =	vld [tilespmem:s24+$0xFFFFFFB0];
	v4 =	vor.u32 $0x1, v4  }
0x12c: {  	v7 =	vshrl.u32 v58, $0x3  }
0x12d: {  	v7 =	vshll.u32 v7, v1  }
0x12e: {  	v7 =	vbroadcast v7, $0x0;
	_ =	sdelay $0x1  }
0x12f: {  	[tilespmem:v4+s18+$0x0] =	vst.idx.msk $0xffff, v6;
	v4 =	vadd.s32 v5, v7  }
0x130: {  	v6 =	vld [tilespmem:s24+$0xFFFFFFC0];
	v4 =	vor.u32 $0x2, v4;
	_ =	sdelay $0x3  }
0x131: {  	s30 =	simm.s32 $0x3  }
0x132: {  	s25 =	sand.u32 $0x78, s30;
	[tilespmem:v4+s18+$0x0] =	vst.idx.msk $0xffff, v6;
	v4 =	vadd.s32 v3, v7  }
0x133: {  	v59 =	vmov s25;
	v6 =	vld [tilespmem:s24+$0xFFFFFFD0];
	v4 =	vor.u32 $0x2, v4  }
0x134: {  	v7 =	vshrl.u32 v59, $0x3  }
0x135: {  	v7 =	vshll.u32 v7, v1  }
0x136: {  	v7 =	vbroadcast v7, $0x0;
	_ =	sdelay $0x1  }
0x137: {  	[tilespmem:v4+s18+$0x0] =	vst.idx.msk $0xffff, v6;
	v4 =	vadd.s32 v5, v7  }
0x138: {  	v6 =	vld [tilespmem:s24+$0xFFFFFFE0];
	v4 =	vor.u32 $0x3, v4;
	_ =	sdelay $0x3  }
0x139: {  	s31 =	simm.s32 $0x4  }
0x13a: {  	s25 =	sand.u32 $0x78, s31;
	[tilespmem:v4+s18+$0x0] =	vst.idx.msk $0xffff, v6;
	v4 =	vadd.s32 v3, v7  }
0x13b: {  	v60 =	vmov s25;
	v6 =	vld [tilespmem:s24+$0xFFFFFFF0];
	v4 =	vor.u32 $0x3, v4  }
0x13c: {  	v7 =	vshrl.u32 v60, $0x3  }
0x13d: {  	v7 =	vshll.u32 v7, v1  }
0x13e: {  	v7 =	vbroadcast v7, $0x0;
	_ =	sdelay $0x1  }
0x13f: {  	[tilespmem:v4+s18+$0x0] =	vst.idx.msk $0xffff, v6;
	v4 =	vadd.s32 v5, v7  }
0x140: {  	v6 =	vld [tilespmem:s24+$0x0];
	v4 =	vor.u32 $0x4, v4;
	_ =	sdelay $0x3  }
0x141: {  	s26 =	simm.s32 $0x5  }
0x142: {  	s25 =	sand.u32 $0x78, s26;
	[tilespmem:v4+s18+$0x0] =	vst.idx.msk $0xffff, v6;
	v4 =	vadd.s32 v3, v7  }
0x143: {  	v61 =	vmov s25;
	v6 =	vld [tilespmem:s24+$0x10];
	v4 =	vor.u32 $0x4, v4  }
0x144: {  	v7 =	vshrl.u32 v61, $0x3  }
0x145: {  	v7 =	vshll.u32 v7, v1  }
0x146: {  	v7 =	vbroadcast v7, $0x0;
	_ =	sdelay $0x1  }
0x147: {  	[tilespmem:v4+s18+$0x0] =	vst.idx.msk $0xffff, v6;
	v4 =	vadd.s32 v5, v7  }
0x148: {  	v6 =	vld [tilespmem:s24+$0x20];
	v4 =	vor.u32 $0x5, v4;
	_ =	sdelay $0x3  }
0x149: {  	s30 =	simm.s32 $0x6  }
0x14a: {  	s25 =	sand.u32 $0x78, s30;
	[tilespmem:v4+s18+$0x0] =	vst.idx.msk $0xffff, v6;
	v4 =	vadd.s32 v3, v7  }
0x14b: {  	v62 =	vmov s25;
	v6 =	vld [tilespmem:s24+$0x30];
	v4 =	vor.u32 $0x5, v4  }
0x14c: {  	v7 =	vshrl.u32 v62, $0x3  }
0x14d: {  	v7 =	vshll.u32 v7, v1  }
0x14e: {  	v7 =	vbroadcast v7, $0x0;
	_ =	sdelay $0x1  }
0x14f: {  	[tilespmem:v4+s18+$0x0] =	vst.idx.msk $0xffff, v6;
	v4 =	vadd.s32 v5, v7  }
0x150: {  	v6 =	vld [tilespmem:s24+$0x40];
	v4 =	vor.u32 $0x6, v4;
	_ =	sdelay $0x3  }
0x151: {  	s31 =	simm.s32 $0x7  }
0x152: {  	s25 =	sand.u32 $0x78, s31;
	[tilespmem:v4+s18+$0x0] =	vst.idx.msk $0xffff, v6;
	v4 =	vadd.s32 v3, v7  }
0x153: {  	v63 =	vmov s25;
	v6 =	vld [tilespmem:s24+$0x50];
	v4 =	vor.u32 $0x6, v4  }
0x154: {  	v7 =	vshrl.u32 v63, $0x3  }
0x155: {  	v7 =	vshll.u32 v7, v1  }
0x156: {  	v7 =	vbroadcast v7, $0x0;
	_ =	sdelay $0x1  }
0x157: {  	[tilespmem:v4+s18+$0x0] =	vst.idx.msk $0xffff, v6;
	v4 =	vadd.s32 v5, v7  }
0x158: {  	v5 =	vld [tilespmem:s24+$0x60];
	v4 =	vor.u32 $0x7, v4;
	_ =	sdelay $0x3  }
0x159: {  	s29 =	simm.s32 $0x0  }
0x15a: {  	s28 =	simm.s32 $0x10;
	s26 =	simm.s32 $0x1;
	s25 =	simm.s32 $0x8;
	v3 =	vadd.s32 v3, v7;
	[tilespmem:v4+s18+$0x0] =	vst.idx.msk $0xffff, v5  }
.LBB2_17:
0x15b: {  	p0 =	sne.s32 s28, $0x1F8;
	s30 =	sand.u32 $0x78, s25;
	v4 =	vmov s29;
	v5 =	vld [tilespmem:s24+$0x70];
	v6 =	vor.u32 $0x7, v3  }
0x15c: {  	v3 =	vmov s30;
	v4 =	vmul.u32 $0x440, v4  }
0x15d: {  	v3 =	vshrl.u32 v3, $0x3  }
0x15e: {  	v4 =	vbroadcast v4, $0x0;
	v3 =	vshll.u32 v3, v1  }
0x15f: {  	v7 =	vbroadcast v3, $0x0  }
0x160: {  	s24 =	sadd.s32 $0x100, s24;
	v3 =	vadd.s32 v0, v4;
	[tilespmem:v6+s18+$0x0] =	vst.idx.msk $0xffff, v5  }
0x161: {  	v5 =	vld [tilespmem:s24+$0xFFFFFF80];
	v6 =	vadd.s32 v3, v7;
	_ =	sdelay $0x3  }
0x162: {  	s29 =	sadd.s32 $0x1, s25  }
0x163: {  	s29 =	sand.u32 $0x78, s29;
	v4 =	vadd.s32 v2, v4;
	[tilespmem:v6+s18+$0x0] =	vst.idx.msk $0xffff, v5  }
0x164: {  	v6 =	vadd.s32 v4, v7;
	v7 =	vmov s29;
	v5 =	vld [tilespmem:s24+$0xFFFFFF90]  }
0x165: {  	v7 =	vshrl.u32 v7, $0x3  }
0x166: {  	v7 =	vshll.u32 v7, v1  }
0x167: {  	v7 =	vbroadcast v7, $0x0;
	_ =	sdelay $0x1  }
0x168: {  	[tilespmem:v6+s18+$0x0] =	vst.idx.msk $0xffff, v5;
	v5 =	vadd.s32 v3, v7  }
0x169: {  	v6 =	vld [tilespmem:s24+$0xFFFFFFA0];
	v5 =	vor.u32 $0x1, v5;
	_ =	sdelay $0x3  }
0x16a: {  	s29 =	sadd.s32 $0x2, s25  }
0x16b: {  	s29 =	sand.u32 $0x78, s29;
	[tilespmem:v5+s18+$0x0] =	vst.idx.msk $0xffff, v6;
	v5 =	vadd.s32 v4, v7  }
0x16c: {  	v7 =	vmov s29;
	v6 =	vld [tilespmem:s24+$0xFFFFFFB0];
	v5 =	vor.u32 $0x1, v5  }
0x16d: {  	v7 =	vshrl.u32 v7, $0x3  }
0x16e: {  	v7 =	vshll.u32 v7, v1  }
0x16f: {  	v7 =	vbroadcast v7, $0x0;
	_ =	sdelay $0x1  }
0x170: {  	[tilespmem:v5+s18+$0x0] =	vst.idx.msk $0xffff, v6;
	v5 =	vadd.s32 v3, v7  }
0x171: {  	v6 =	vld [tilespmem:s24+$0xFFFFFFC0];
	v5 =	vor.u32 $0x2, v5;
	_ =	sdelay $0x3  }
0x172: {  	s29 =	sadd.s32 $0x3, s25  }
0x173: {  	s29 =	sand.u32 $0x78, s29;
	[tilespmem:v5+s18+$0x0] =	vst.idx.msk $0xffff, v6;
	v5 =	vadd.s32 v4, v7  }
0x174: {  	v7 =	vmov s29;
	v6 =	vld [tilespmem:s24+$0xFFFFFFD0];
	v5 =	vor.u32 $0x2, v5  }
0x175: {  	v7 =	vshrl.u32 v7, $0x3  }
0x176: {  	v7 =	vshll.u32 v7, v1  }
0x177: {  	v7 =	vbroadcast v7, $0x0;
	_ =	sdelay $0x1  }
0x178: {  	[tilespmem:v5+s18+$0x0] =	vst.idx.msk $0xffff, v6;
	v5 =	vadd.s32 v3, v7  }
0x179: {  	v6 =	vld [tilespmem:s24+$0xFFFFFFE0];
	v5 =	vor.u32 $0x3, v5;
	_ =	sdelay $0x3  }
0x17a: {  	s29 =	sadd.s32 $0x4, s25  }
0x17b: {  	s29 =	sand.u32 $0x78, s29;
	[tilespmem:v5+s18+$0x0] =	vst.idx.msk $0xffff, v6;
	v5 =	vadd.s32 v4, v7  }
0x17c: {  	v7 =	vmov s29;
	v6 =	vld [tilespmem:s24+$0xFFFFFFF0];
	v5 =	vor.u32 $0x3, v5  }
0x17d: {  	v7 =	vshrl.u32 v7, $0x3  }
0x17e: {  	v7 =	vshll.u32 v7, v1  }
0x17f: {  	v7 =	vbroadcast v7, $0x0;
	_ =	sdelay $0x1  }
0x180: {  	[tilespmem:v5+s18+$0x0] =	vst.idx.msk $0xffff, v6;
	v5 =	vadd.s32 v3, v7  }
0x181: {  	v6 =	vld [tilespmem:s24+$0x0];
	v5 =	vor.u32 $0x4, v5;
	_ =	sdelay $0x3  }
0x182: {  	s29 =	sadd.s32 $0x5, s25  }
0x183: {  	s29 =	sand.u32 $0x78, s29;
	[tilespmem:v5+s18+$0x0] =	vst.idx.msk $0xffff, v6;
	v5 =	vadd.s32 v4, v7  }
0x184: {  	v7 =	vmov s29;
	v6 =	vld [tilespmem:s24+$0x10];
	v5 =	vor.u32 $0x4, v5  }
0x185: {  	v7 =	vshrl.u32 v7, $0x3  }
0x186: {  	v7 =	vshll.u32 v7, v1  }
0x187: {  	v7 =	vbroadcast v7, $0x0;
	_ =	sdelay $0x1  }
0x188: {  	[tilespmem:v5+s18+$0x0] =	vst.idx.msk $0xffff, v6;
	v5 =	vadd.s32 v3, v7  }
0x189: {  	v6 =	vld [tilespmem:s24+$0x20];
	v5 =	vor.u32 $0x5, v5;
	_ =	sdelay $0x3  }
0x18a: {  	s29 =	sadd.s32 $0x6, s25  }
0x18b: {  	s29 =	sand.u32 $0x78, s29;
	[tilespmem:v5+s18+$0x0] =	vst.idx.msk $0xffff, v6;
	v5 =	vadd.s32 v4, v7  }
0x18c: {  	v7 =	vmov s29;
	v6 =	vld [tilespmem:s24+$0x30];
	v5 =	vor.u32 $0x5, v5  }
0x18d: {  	v7 =	vshrl.u32 v7, $0x3  }
0x18e: {  	v7 =	vshll.u32 v7, v1  }
0x18f: {  	v7 =	vbroadcast v7, $0x0;
	_ =	sdelay $0x1  }
0x190: {  	[tilespmem:v5+s18+$0x0] =	vst.idx.msk $0xffff, v6;
	v5 =	vadd.s32 v3, v7  }
0x191: {  	v6 =	vld [tilespmem:s24+$0x40];
	v5 =	vor.u32 $0x6, v5;
	_ =	sdelay $0x3  }
0x192: {  	s29 =	sadd.s32 $0x7, s25;
	s25 =	smov.u32 s28  }
0x193: {  	s29 =	sand.u32 $0x78, s29;
	[tilespmem:v5+s18+$0x0] =	vst.idx.msk $0xffff, v6;
	v5 =	vadd.s32 v4, v7  }
0x194: {  	v7 =	vmov s29;
	v6 =	vld [tilespmem:s24+$0x50];
	v5 =	vor.u32 $0x6, v5  }
0x195: {  	v7 =	vshrl.u32 v7, $0x3  }
0x196: {  	v7 =	vshll.u32 v7, v1  }
0x197: {  	v7 =	vbroadcast v7, $0x0;
	_ =	sdelay $0x1  }
0x198: {  	v3 =	vadd.s32 v3, v7;
	[tilespmem:v5+s18+$0x0] =	vst.idx.msk $0xffff, v6  }
0x199: {  	v3 =	vor.u32 $0x7, v3;
	v5 =	vld [tilespmem:s24+$0x60]  }
.Ltmp10:
0x19a: {  	(pc) =	sbr.rel @p0 .LBB2_17-.Ltmp10, $3  }
0x19b: {  	_ =	sdelay $0x1  }
0x19c: {  	s26 =	sadd.s32 $0x1, s26  }
0x19d: {  	s28 =	sadd.s32 $0x8, s28;
	s29 =	sshrl.u32 s26, $0x4;
	[tilespmem:v3+s18+$0x0] =	vst.idx.msk $0xffff, v5;
	v3 =	vadd.s32 v4, v7  }
0x19e: {  	s26 =	sand.u32 $0x78, s25;
	v4 =	vmov s29;
	v5 =	vld [tilespmem:s24+$0x70];
	v3 =	vor.u32 $0x7, v3  }
0x19f: {  	v6 =	vmov s26;
	v4 =	vmul.u32 $0x440, v4  }
0x1a0: {  	v6 =	vshrl.u32 v6, $0x3  }
0x1a1: {  	v4 =	vbroadcast v4, $0x0;
	v6 =	vshll.u32 v6, v1  }
0x1a2: {  	v6 =	vbroadcast v6, $0x0  }
0x1a3: {  	s24 =	sadd.s32 $0x100, s24;
	v7 =	vadd.s32 v0, v4;
	[tilespmem:v3+s18+$0x0] =	vst.idx.msk $0xffff, v5  }
0x1a4: {  	v3 =	vld [tilespmem:s24+$0xFFFFFF80];
	v41 =	vadd.s32 v7, v6;
	_ =	sdelay $0x3  }
0x1a5: {  	s31 =	sadd.s32 $0x1, s25  }
0x1a6: {  	s26 =	sand.u32 $0x78, s31;
	[tilespmem:v41+s18+$0x0] =	vst.idx.msk $0xffff, v3;
	v3 =	vadd.s32 v2, v4  }
0x1a7: {  	v44 =	vmov s26;
	v42 =	vld [tilespmem:s24+$0xFFFFFF90];
	v43 =	vadd.s32 v3, v6  }
0x1a8: {  	v6 =	vshrl.u32 v44, $0x3  }
0x1a9: {  	v6 =	vshll.u32 v6, v1  }
0x1aa: {  	v6 =	vbroadcast v6, $0x0;
	_ =	sdelay $0x1  }
0x1ab: {  	v45 =	vadd.s32 v7, v6;
	[tilespmem:v43+s18+$0x0] =	vst.idx.msk $0xffff, v42  }
0x1ac: {  	v4 =	vor.u32 $0x1, v45;
	v5 =	vld [tilespmem:s24+$0xFFFFFFA0];
	_ =	sdelay $0x3  }
0x1ad: {  	s29 =	sadd.s32 $0x2, s25  }
0x1ae: {  	s26 =	sand.u32 $0x78, s29;
	v46 =	vadd.s32 v3, v6;
	[tilespmem:v4+s18+$0x0] =	vst.idx.msk $0xffff, v5  }
0x1af: {  	v47 =	vmov s26;
	v4 =	vor.u32 $0x1, v46;
	v5 =	vld [tilespmem:s24+$0xFFFFFFB0]  }
0x1b0: {  	v6 =	vshrl.u32 v47, $0x3  }
0x1b1: {  	v6 =	vshll.u32 v6, v1  }
0x1b2: {  	v6 =	vbroadcast v6, $0x0;
	_ =	sdelay $0x1  }
0x1b3: {  	v48 =	vadd.s32 v7, v6;
	[tilespmem:v4+s18+$0x0] =	vst.idx.msk $0xffff, v5  }
0x1b4: {  	v4 =	vor.u32 $0x2, v48;
	v5 =	vld [tilespmem:s24+$0xFFFFFFC0];
	_ =	sdelay $0x3  }
0x1b5: {  	s30 =	sadd.s32 $0x3, s25  }
0x1b6: {  	s26 =	sand.u32 $0x78, s30;
	v49 =	vadd.s32 v3, v6;
	[tilespmem:v4+s18+$0x0] =	vst.idx.msk $0xffff, v5  }
0x1b7: {  	v50 =	vmov s26;
	v4 =	vor.u32 $0x2, v49;
	v5 =	vld [tilespmem:s24+$0xFFFFFFD0]  }
0x1b8: {  	v6 =	vshrl.u32 v50, $0x3  }
0x1b9: {  	v6 =	vshll.u32 v6, v1  }
0x1ba: {  	v6 =	vbroadcast v6, $0x0;
	_ =	sdelay $0x1  }
0x1bb: {  	v51 =	vadd.s32 v7, v6;
	[tilespmem:v4+s18+$0x0] =	vst.idx.msk $0xffff, v5  }
0x1bc: {  	v4 =	vor.u32 $0x3, v51;
	v5 =	vld [tilespmem:s24+$0xFFFFFFE0];
	_ =	sdelay $0x3  }
0x1bd: {  	s31 =	sadd.s32 $0x4, s25  }
0x1be: {  	s26 =	sand.u32 $0x78, s31;
	v52 =	vadd.s32 v3, v6;
	[tilespmem:v4+s18+$0x0] =	vst.idx.msk $0xffff, v5  }
0x1bf: {  	v53 =	vmov s26;
	v4 =	vor.u32 $0x3, v52;
	v5 =	vld [tilespmem:s24+$0xFFFFFFF0]  }
0x1c0: {  	v6 =	vshrl.u32 v53, $0x3  }
0x1c1: {  	v6 =	vshll.u32 v6, v1  }
0x1c2: {  	v6 =	vbroadcast v6, $0x0;
	_ =	sdelay $0x1  }
0x1c3: {  	v54 =	vadd.s32 v7, v6;
	[tilespmem:v4+s18+$0x0] =	vst.idx.msk $0xffff, v5  }
0x1c4: {  	v4 =	vor.u32 $0x4, v54;
	v5 =	vld [tilespmem:s24+$0x0];
	_ =	sdelay $0x3  }
0x1c5: {  	s29 =	sadd.s32 $0x5, s25  }
0x1c6: {  	s26 =	sand.u32 $0x78, s29;
	v55 =	vadd.s32 v3, v6;
	[tilespmem:v4+s18+$0x0] =	vst.idx.msk $0xffff, v5  }
0x1c7: {  	v56 =	vmov s26;
	v4 =	vor.u32 $0x4, v55;
	v5 =	vld [tilespmem:s24+$0x10]  }
0x1c8: {  	v6 =	vshrl.u32 v56, $0x3  }
0x1c9: {  	v6 =	vshll.u32 v6, v1  }
0x1ca: {  	v6 =	vbroadcast v6, $0x0;
	_ =	sdelay $0x1  }
0x1cb: {  	v57 =	vadd.s32 v7, v6;
	[tilespmem:v4+s18+$0x0] =	vst.idx.msk $0xffff, v5  }
0x1cc: {  	v4 =	vor.u32 $0x5, v57;
	v5 =	vld [tilespmem:s24+$0x20];
	_ =	sdelay $0x3  }
0x1cd: {  	s30 =	sadd.s32 $0x6, s25  }
0x1ce: {  	s26 =	sand.u32 $0x78, s30;
	v58 =	vadd.s32 v3, v6;
	[tilespmem:v4+s18+$0x0] =	vst.idx.msk $0xffff, v5  }
0x1cf: {  	v59 =	vmov s26;
	v4 =	vor.u32 $0x5, v58;
	v5 =	vld [tilespmem:s24+$0x30]  }
0x1d0: {  	v6 =	vshrl.u32 v59, $0x3  }
0x1d1: {  	v6 =	vshll.u32 v6, v1  }
0x1d2: {  	v6 =	vbroadcast v6, $0x0;
	_ =	sdelay $0x1  }
0x1d3: {  	v60 =	vadd.s32 v7, v6;
	[tilespmem:v4+s18+$0x0] =	vst.idx.msk $0xffff, v5  }
0x1d4: {  	v4 =	vor.u32 $0x6, v60;
	v5 =	vld [tilespmem:s24+$0x40];
	_ =	sdelay $0x3  }
0x1d5: {  	s31 =	sadd.s32 $0x7, s25  }
0x1d6: {  	s25 =	sand.u32 $0x78, s31;
	v61 =	vadd.s32 v3, v6;
	[tilespmem:v4+s18+$0x0] =	vst.idx.msk $0xffff, v5  }
0x1d7: {  	v62 =	vmov s25;
	v4 =	vor.u32 $0x6, v61;
	v5 =	vld [tilespmem:s24+$0x50]  }
0x1d8: {  	v6 =	vshrl.u32 v62, $0x3  }
0x1d9: {  	v6 =	vshll.u32 v6, v1  }
0x1da: {  	v6 =	vbroadcast v6, $0x0;
	_ =	sdelay $0x1  }
0x1db: {  	v63 =	vadd.s32 v7, v6;
	[tilespmem:v4+s18+$0x0] =	vst.idx.msk $0xffff, v5  }
0x1dc: {  	v4 =	vor.u32 $0x7, v63;
	v5 =	vld [tilespmem:s24+$0x60];
	_ =	sdelay $0x4  }
0x1dd: {  	v3 =	vadd.s32 v3, v6;
	[tilespmem:v4+s18+$0x0] =	vst.idx.msk $0xffff, v5  }
0x1de: {  	v3 =	vor.u32 $0x7, v3;
	v4 =	vld [tilespmem:s24+$0x70];
	_ =	sdelay $0x2  }
0x1df: {  	s23 =	sadd.s32 s23, s7  }
0x1e0: {  	s28 =	sadd.s32 $0x0, s23  }
0x1e1: {  	s25 =	simm.s32 $0x10;
	s26 =	simm.s32 $0x18C88;
	s24 =	simm.s32 $0x18C00;
	[tilespmem:v3+s18+$0x0] =	vst.idx.msk $0xffff, v4  }
.LBB2_19:
0x1e2: {  	[hbm4b:s28+s3] =	stream.linear.scatter [tilespmem:s24], [sflag:$0x4], $0x80, $0x38;
	[tilespmem:$0x1D000] =	vst v63  }
0x1e3: {  	s28 =	smov.u32 s25;
	s24 =	smov.u32 s26;
	p0 =	sne.s32 s25, $0x1F0  }
.Ltmp11:
0x1e4: {  	s25 =	sadd.s32 $0x10, s25;
	(pc) =	sbr.rel @p0 .LBB2_19-.Ltmp11, $2  }
0x1e5: {  	_ =	sdelay $0x2  }
0x1e6: {  	s26 =	sadd.s32 $0x88, s26;
	s28 =	sadd.s32 s28, s23  }
0x1e7: {  	[hbm4b:s28+s3] =	stream.linear.scatter [tilespmem:s24], [sflag:$0x4], $0x80, $0x38;
	[tilespmem:$0x1D000] =	vst v63  }
0x1e8: {  	s24 =	sadd.s32 $0x4000, s23;
	s25 =	simm.s32 $0x19D00  }
0x1e9: {  	s26 =	simm.s32 $0x10;
	s28 =	simm.s32 $0x19D88;
	s29 =	sadd.s32 $0x0, s24  }
.LBB2_21:
0x1ea: {  	[hbm4b:s29+s3] =	stream.linear.scatter [tilespmem:s25], [sflag:$0x4], $0x80, $0x38;
	[tilespmem:$0x1D000] =	vst v63  }
0x1eb: {  	s29 =	smov.u32 s26;
	s25 =	smov.u32 s28;
	p0 =	sne.s32 s26, $0x1F0  }
.Ltmp12:
0x1ec: {  	s26 =	sadd.s32 $0x10, s26;
	(pc) =	sbr.rel @p0 .LBB2_21-.Ltmp12, $2  }
0x1ed: {  	_ =	sdelay $0x2  }
0x1ee: {  	s28 =	sadd.s32 $0x88, s28;
	s29 =	sadd.s32 s29, s24  }
0x1ef: {  	[hbm4b:s29+s3] =	stream.linear.scatter [tilespmem:s25], [sflag:$0x4], $0x80, $0x38;
	[tilespmem:$0x1D000] =	vst v63  }
0x1f0: {  	s24 =	sadd.s32 $0x8000, s23;
	s25 =	simm.s32 $0x1AE00  }
0x1f1: {  	s26 =	simm.s32 $0x10;
	s28 =	simm.s32 $0x1AE88;
	s29 =	sadd.s32 $0x0, s24  }
.LBB2_23:
0x1f2: {  	[hbm4b:s29+s3] =	stream.linear.scatter [tilespmem:s25], [sflag:$0x4], $0x80, $0x38;
	[tilespmem:$0x1D000] =	vst v63  }
0x1f3: {  	s29 =	smov.u32 s26;
	s25 =	smov.u32 s28;
	p0 =	sne.s32 s26, $0x1F0  }
.Ltmp13:
0x1f4: {  	s26 =	sadd.s32 $0x10, s26;
	(pc) =	sbr.rel @p0 .LBB2_23-.Ltmp13, $2  }
0x1f5: {  	_ =	sdelay $0x2  }
0x1f6: {  	s28 =	sadd.s32 $0x88, s28;
	s29 =	sadd.s32 s29, s24  }
0x1f7: {  	[hbm4b:s29+s3] =	stream.linear.scatter [tilespmem:s25], [sflag:$0x4], $0x80, $0x38;
	[tilespmem:$0x1D000] =	vst v63  }
0x1f8: {  	s23 =	sadd.s32 $0xC000, s23;
	s24 =	simm.s32 $0x1BF00  }
0x1f9: {  	s25 =	simm.s32 $0x10;
	s26 =	simm.s32 $0x1BF88;
	s28 =	sadd.s32 $0x0, s23  }
.LBB2_25:
0x1fa: {  	[hbm4b:s28+s3] =	stream.linear.scatter [tilespmem:s24], [sflag:$0x4], $0x80, $0x38;
	[tilespmem:$0x1D000] =	vst v63  }
0x1fb: {  	s28 =	smov.u32 s25;
	s24 =	smov.u32 s26;
	p0 =	sne.s32 s25, $0x1F0  }
.Ltmp14:
0x1fc: {  	s25 =	sadd.s32 $0x10, s25;
	(pc) =	sbr.rel @p0 .LBB2_25-.Ltmp14, $2  }
0x1fd: {  	_ =	sdelay $0x2  }
0x1fe: {  	s26 =	sadd.s32 $0x88, s26;
	s28 =	sadd.s32 s28, s23  }
0x1ff: {  	p0 =	seq.s32 s21, $0x31  }
.Ltmp15:
0x200: {  	_ = 	snop;
	(pc) =	sbr.rel @p0 .LBB2_28-.Ltmp15, $2  }
0x201: {  	_ =	sdelay $0x2  }
0x202: {  	[hbm4b:s28+s3] =	stream.linear.scatter [tilespmem:s24], [sflag:$0x4], $0x80, $0x38;
	[tilespmem:$0x1D000] =	vst v63  }
.Ltmp16:
0x203: {  	(pc) =	sbr.rel .LBB2_2-.Ltmp16, $4  }
0x204: {  	_ = 	snop  }
0x205: {  	s22 =	sshrl.u32 s22, $0x2  }
0x206: {  	s21 =	sadd.s32 $0x1, s21;
	s22 =	sadd.s32 $0x600, s22  }
0x207: {  	[tilespmem:s13], [sflag:$0x2] =	stream.indirect.gather [hbm4b:s4+s9], $0x20, s22, s9, $0xb8;
	[tilespmem:$0x1D000] =	vst v63  }
.LBB2_29:
0x208: {  	_ =	sfence.sel $0x180000  }
0x209: {  	[bflag:$0x0] =	sbarrier.arrive $0xFFFF  }
0x20a: {  	p0 =	sne.s32 s0, $0x0;
	_ =	strace $0x90000047  }
0x20b: {  	s0 =	sadd.s32 @!p0 $0x100000, s1;
	[bflag:$0x2] =	sbarrier.arrive $0xFFFF  }
0x20c: {  	[sflag:s0] =	ssyncadd.tile.s32 @!p0 $0x1;
	_ =	shalt  }
.Lfunc_end2:
_tile_overlayer_lowered:
.L_overlay_start_2:
0x20d: {  	(tag) =	ssettag $0x2  }
0x20e: {  	s0 =	rddreg [dreg:$0x0];
	s2 =	stileid.u32  }
0x20f: {  	s1 =	rddreg [dreg:$0x1];
	p0 =	sne.s32 s2, $0x0  }
0x210: {  	s3 =	rddreg [dreg:$0x2];
	[bflag:$0x3] =	sbarrier.arrive $0xFFFF;
	s2 =	simm.s32 @!p0 $0x1C05  }
0x211: {  	[timem:s3], [sflag:s2] =	dma.local @!p0 [hbm:s0], s1  }
0x212: {  	s0 =	simm.s32 @!p0 $0x5  }
0x213: {  	_ =	swait.ge @!p0 [sflag:s0], s1  }
0x214: {  	s1 =	ssub.s32 @!p0 $0x0, s1;
	[sflag:s0] =	ssyncset.done @!p0 $0x0  }
0x215: {  	[sflag:s0] =	ssyncadd.s32 @!p0 s1  }
0x216: {  	[bflag:$0x3] =	sbarrier.arrive $0xFFFF  }
0x217: {  	_ =	shalt  }

</sc_bundles>
